<compile_context>
chip_gen: v7x
topology: tpu7x:2x2x1
jax: 0.10.2.dev20260603
libtpu: 0.0.44.dev20260713+nightly
codegen_flags: <defaults>
</compile_context>

<pallas_src>
import functools

import jax
import jax.numpy as jnp
from jax import lax
from jax.experimental import pallas as pl
from jax.experimental.pallas import tpu as pltpu
from jax.experimental.pallas import tpu_sc as plsc

NC = 2
NS = 16
NW = NC * NS
EMBED = 64
LANES = 16

BATCH = 16384
HIST = 50
COLS_PER_W = BATCH // NW
JC = 256
JOBS_PER_H = COLS_PER_W // JC
NJOBS = HIST * JOBS_PER_H


def _gather_body(idx_hbm, tab_hbm, out_hbm, idx_v, ga, gb, ta, tb, gsa, gsb, wsa, wsb):
    sid = lax.axis_index("s")
    cid = lax.axis_index("c")
    wid = sid * NC + cid
    c0 = wid * COLS_PER_W
    pltpu.sync_copy(idx_hbm.at[:, pl.ds(c0, COLS_PER_W)], idx_v)

    lane = lax.iota(jnp.int32, LANES)

    def fire_gather(j, gbuf, sem):
        h = j // JOBS_PER_H
        half = j % JOBS_PER_H
        pltpu.async_copy(tab_hbm.at[idx_v.at[h, pl.ds(half * JC, JC)]], gbuf, sem)

    def wait_gather(gbuf, sem):
        pltpu.make_async_copy(tab_hbm.at[pl.ds(0, JC)], gbuf, sem).wait()

    def transpose(gbuf, tbuf):
        @pl.loop(0, EMBED)
        def _(d):
            col = jnp.full((LANES,), d, jnp.int32)
            for k in range(JC // LANES):
                rows = lane + (k * LANES)
                v = plsc.load_gather(gbuf, [rows, col])
                tbuf[d, pl.ds(k * LANES, LANES)] = v

    def fire_write(j, tbuf, sem):
        h = j // JOBS_PER_H
        half = j % JOBS_PER_H
        pltpu.async_copy(
            tbuf, out_hbm.at[h, :, pl.ds(c0 + half * JC, JC)], sem
        )

    def wait_write(tbuf, sem):
        pltpu.make_async_copy(tbuf, out_hbm.at[0, :, pl.ds(c0, JC)], sem).wait()

    fire_gather(0, ga, gsa)

    @pl.loop(0, NJOBS, step=2)
    def _(j):
        fire_gather(j + 1, gb, gsb)
        wait_gather(ga, gsa)
        pl.when(j > 0)(lambda: wait_write(ta, wsa))
        transpose(ga, ta)
        fire_write(j, ta, wsa)
        pl.when(j + 2 < NJOBS)(lambda: fire_gather(j + 2, ga, gsa))
        wait_gather(gb, gsb)
        pl.when(j > 0)(lambda: wait_write(tb, wsb))
        transpose(gb, tb)
        fire_write(j + 1, tb, wsb)

    wait_write(ta, wsa)
    wait_write(tb, wsb)


_gather = functools.partial(
    pl.kernel,
    out_type=jax.ShapeDtypeStruct((HIST, EMBED, BATCH), jnp.float32),
    mesh=plsc.VectorSubcoreMesh(
        core_axis_name="c", subcore_axis_name="s", num_cores=NC, num_subcores=NS
    ),
    scratch_types=[
        pltpu.VMEM((HIST, COLS_PER_W), jnp.int32),
        pltpu.VMEM((JC, EMBED), jnp.float32),
        pltpu.VMEM((JC, EMBED), jnp.float32),
        pltpu.VMEM((EMBED, JC), jnp.float32),
        pltpu.VMEM((EMBED, JC), jnp.float32),
        pltpu.SemaphoreType.DMA,
        pltpu.SemaphoreType.DMA,
        pltpu.SemaphoreType.DMA,
        pltpu.SemaphoreType.DMA,
    ],
    compiler_params=pltpu.CompilerParams(
        use_tc_tiling_on_sc=False, needs_layout_passes=False
    ),
)(_gather_body)


def kernel(input, weight):
    idx_t = jnp.transpose(input.astype(jnp.int32))
    out_t = _gather(idx_t, weight)
    return jnp.transpose(out_t, (2, 0, 1))

# --- scband reference (transcript-rebuilt; emitter-appended) ---
"""Pipeline reference for scband-encoder-rnn-23398981828772 (READ-ONLY COPY).

The authoritative reference and input builder live on the scoring server;
editing this copy changes nothing except your own understanding.
"""

import jax, jax.numpy as jnp
import numpy as np

VOCAB = 1000000
EMBED_DIM = 64
BATCH = 16384
HIST = 50
PADDING_IDX = 2


def setup_inputs(seed: int = 0) -> dict:
    key = jax.random.key(seed)
    k_idx, k_w = jax.random.split(key)
    indices = jax.random.randint(k_idx, (BATCH, HIST), 0, VOCAB, dtype=jnp.int64 if jax.config.read('jax_enable_x64') else jnp.int32)
    weight = jax.random.normal(k_w, (VOCAB, EMBED_DIM), dtype=jnp.float32)
    # nn.Embedding with padding_idx=2 initializes that row to zeros
    weight = weight.at[PADDING_IDX].set(0.0)
    return {"input": indices, "weight": weight}


def reference(input, weight):
    # Faithful translation of EncoderRNN.forward: embedded = self.embedding(input); return embedded
    # padding_idx row contributes zeros (enforced at init, and kept zero here)
    weight_eff = weight.at[PADDING_IDX].set(0.0)
    embedded = jnp.take(weight_eff, input, axis=0)
    return embedded

if __name__ == "__main__":
    import jax
    _d = setup_inputs()
    print(jax.jit(kernel)(*tuple(_d.values())))

</pallas_src>

<mosaic_0001>
#map = affine_map<(d0, d1) -> (0, 0)>
#map1 = affine_map<(d0, d1) -> (0, 0, 0)>
module attributes {stable_mosaic.version = 14 : i64} {
  func.func @_gather_body(%arg0: i32, %arg1: i32, %arg2: memref<50x16384xi32, #tpu.memory_space<hbm>>, %arg3: memref<1000000x64xf32, #tpu.memory_space<hbm>>, %arg4: memref<50x64x16384xf32, #tpu.memory_space<hbm>>, %arg5: memref<50x512xi32, #tpu.memory_space<vmem>>, %arg6: memref<256x64xf32, #tpu.memory_space<vmem>>, %arg7: memref<256x64xf32, #tpu.memory_space<vmem>>, %arg8: memref<64x256xf32, #tpu.memory_space<vmem>>, %arg9: memref<64x256xf32, #tpu.memory_space<vmem>>, %arg10: memref<!tpu.dma_semaphore, #tpu.memory_space<semaphore_mem>>, %arg11: memref<!tpu.dma_semaphore, #tpu.memory_space<semaphore_mem>>, %arg12: memref<!tpu.dma_semaphore, #tpu.memory_space<semaphore_mem>>, %arg13: memref<!tpu.dma_semaphore, #tpu.memory_space<semaphore_mem>>) attributes {dimension_semantics = [#tpu.dimension_semantics<core_parallel>, #tpu.dimension_semantics<subcore_parallel>], iteration_bounds = array<i64: 2, 16>, scalar_prefetch = 0 : i64, scratch_operands = 9 : i64, tpu.core_type = #tpu.core_type<sc_vector_subcore>, window_params = [{transform_indices = #map}, {transform_indices = #map}, {transform_indices = #map1}]} {
    %mul3A = arith.constant 2 : i32
    %mul3A_0 = arith.muli %arg1, %mul3A : i32
    %add3A = arith.addi %mul3A_0, %arg0 : i32
    %mul3A_1 = arith.constant 512 : i32
    %mul3A_2 = arith.muli %add3A, %mul3A_1 : i32
    "tpu.region"() ({
      %run_scoped3A = tpu.sem_alloc : memref<!tpu.dma_semaphore, #tpu.memory_space<semaphore_mem>>
      %dma_start3A_26 = arith.constant 0 : i32
      %dma_start3A_27 = tpu.memref_slice %arg2[%dma_start3A_26, %mul3A_2] : memref<50x16384xi32, #tpu.memory_space<hbm>> -> memref<50x512xi32, #tpu.memory_space<hbm>>
      %dma_start3A_28 = arith.constant 0 : i32
      %dma_start3A_29 = tpu.memref_slice %arg2[%dma_start3A_28, %mul3A_2] : memref<50x16384xi32, #tpu.memory_space<hbm>> -> memref<50x512xi32, #tpu.memory_space<hbm>>
      tpu.enqueue_dma source(%dma_start3A_29 : memref<50x512xi32, #tpu.memory_space<hbm>>) target(%arg5 : memref<50x512xi32, #tpu.memory_space<vmem>>) target_semaphore(%run_scoped3A : memref<!tpu.dma_semaphore, #tpu.memory_space<semaphore_mem>>)
      %dma_wait3A_30 = arith.constant 0 : i32
      %dma_wait3A_31 = tpu.memref_slice %arg2[%dma_wait3A_30, %mul3A_2] : memref<50x16384xi32, #tpu.memory_space<hbm>> -> memref<50x512xi32, #tpu.memory_space<hbm>>
      %dma_wait3A_32 = arith.constant 0 : i32
      %dma_wait3A_33 = tpu.memref_slice %arg2[%dma_wait3A_32, %mul3A_2] : memref<50x16384xi32, #tpu.memory_space<hbm>> -> memref<50x512xi32, #tpu.memory_space<hbm>>
      tpu.wait_dma2 semaphore(%run_scoped3A : memref<!tpu.dma_semaphore, #tpu.memory_space<semaphore_mem>>) src(%dma_wait3A_33 : memref<50x512xi32, #tpu.memory_space<hbm>>) dst(%arg5 : memref<50x512xi32, #tpu.memory_space<vmem>>)
      tpu.yield
    }) : () -> ()
    %iota3A = tpu.iota {dimensions = array<i32: 0>} : vector<16xi32>
    %dma_start3A = arith.constant 0 : i32
    %dma_start3A_3 = arith.constant 0 : i32
    %dma_start3A_4 = tpu.memref_slice %arg5[%dma_start3A, %dma_start3A_3] : memref<50x512xi32, #tpu.memory_space<vmem>> -> memref<1x256xi32, #tpu.memory_space<vmem>>
    %dma_start3A_5 = tpu.memref_squeeze %dma_start3A_4 : memref<1x256xi32, #tpu.memory_space<vmem>> -> memref<256xi32, #tpu.memory_space<vmem>>
    %dma_start3A_6 = arith.constant 0 : i32
    %dma_start3A_7 = arith.constant 0 : i32
    %dma_start3A_8 = tpu.memref_slice %arg3[%dma_start3A_6, %dma_start3A_7] : memref<1000000x64xf32, #tpu.memory_space<hbm>> -> memref<1000000x64xf32, #tpu.memory_space<hbm>>
    tpu.enqueue_indirect_dma source(%dma_start3A_8 : memref<1000000x64xf32, #tpu.memory_space<hbm>>) target(%arg6 : memref<256x64xf32, #tpu.memory_space<vmem>>) offsets(%dma_start3A_5 : memref<256xi32, #tpu.memory_space<vmem>>) semaphore(%arg10 : memref<!tpu.dma_semaphore, #tpu.memory_space<semaphore_mem>>)
    %scan3A = arith.constant 0 : i32
    %scan3A_9 = arith.constant 50 : i32
    %scan3A_10 = arith.addi %scan3A, %scan3A_9 : i32
    %scan3A_11 = arith.constant 1 : i32
    scf.for %scan3A_26 = %scan3A to %scan3A_10 step %scan3A_11  : i32 {
      %mul3A_27 = arith.constant 2 : i32
      %mul3A_28 = arith.muli %scan3A_26, %mul3A_27 : i32
      %add3A_29 = arith.constant 0 : i32
      %add3A_30 = arith.addi %add3A_29, %mul3A_28 : i32
      %add3A_31 = arith.constant 1 : i32
      %add3A_32 = arith.addi %add3A_30, %add3A_31 : i32
      %jit3A = arith.constant 2 : i32
      %div3A = arith.divsi %add3A_32, %jit3A : i32
      %sign3A = arith.constant 0 : i32
      %sign3A_33 = arith.cmpi sgt, %add3A_32, %sign3A : i32
      %sign3A_34 = arith.extui %sign3A_33 : i1 to i32
      %sign3A_35 = arith.constant 0 : i32
      %sign3A_36 = arith.cmpi slt, %add3A_32, %sign3A_35 : i32
      %sign3A_37 = arith.extui %sign3A_36 : i1 to i32
      %sign3A_38 = arith.subi %sign3A_34, %sign3A_37 : i32
      %sign3A_39 = arith.constant 0 : i32
      %sign3A_40 = arith.cmpi sgt, %jit3A, %sign3A_39 : i32
      %sign3A_41 = arith.extui %sign3A_40 : i1 to i32
      %sign3A_42 = arith.constant 0 : i32
      %sign3A_43 = arith.cmpi slt, %jit3A, %sign3A_42 : i32
      %sign3A_44 = arith.extui %sign3A_43 : i1 to i32
      %sign3A_45 = arith.subi %sign3A_41, %sign3A_44 : i32
      %ne3A = arith.cmpi ne, %sign3A_38, %sign3A_45 : i32
      %rem3A = arith.remsi %add3A_32, %jit3A : i32
      %ne3A_46 = arith.constant 0 : i32
      %ne3A_47 = arith.cmpi ne, %rem3A, %ne3A_46 : i32
      %and3A = arith.andi %ne3A, %ne3A_47 : i1
      %sub3A = arith.constant 1 : i32
      %sub3A_48 = arith.subi %div3A, %sub3A : i32
      %select_n3A = arith.select %and3A, %sub3A_48, %div3A : i32
      %jit3A_49 = arith.constant 2 : i32
      %eq3A = arith.constant 0 : i32
      %eq3A_50 = arith.cmpi eq, %jit3A_49, %eq3A : i32
      %jit3A_51 = arith.constant 1 : i32
      %select_n3A_52 = arith.select %eq3A_50, %jit3A_51, %jit3A_49 : i32
      %rem3A_53 = arith.remsi %add3A_32, %select_n3A_52 : i32
      %ne3A_54 = arith.constant 0 : i32
      %ne3A_55 = arith.cmpi ne, %rem3A_53, %ne3A_54 : i32
      %lt3A = arith.constant 0 : i32
      %lt3A_56 = arith.cmpi slt, %rem3A_53, %lt3A : i32
      %lt3A_57 = arith.constant 0 : i32
      %lt3A_58 = arith.cmpi slt, %select_n3A_52, %lt3A_57 : i32
      %ne3A_59 = arith.xori %lt3A_56, %lt3A_58 : i1
      %and3A_60 = arith.andi %ne3A_59, %ne3A_55 : i1
      %add3A_61 = arith.addi %rem3A_53, %select_n3A_52 : i32
      %select_n3A_62 = arith.select %and3A_60, %add3A_61, %rem3A_53 : i32
      %mul3A_63 = arith.constant 256 : i32
      %mul3A_64 = arith.muli %select_n3A_62, %mul3A_63 : i32
      %dma_start3A_65 = tpu.memref_slice %arg5[%select_n3A, %mul3A_64] : memref<50x512xi32, #tpu.memory_space<vmem>> -> memref<1x256xi32, #tpu.memory_space<vmem>>
      %dma_start3A_66 = tpu.memref_squeeze %dma_start3A_65 : memref<1x256xi32, #tpu.memory_space<vmem>> -> memref<256xi32, #tpu.memory_space<vmem>>
      %dma_start3A_67 = arith.constant 0 : i32
      %dma_start3A_68 = arith.constant 0 : i32
      %dma_start3A_69 = tpu.memref_slice %arg3[%dma_start3A_67, %dma_start3A_68] : memref<1000000x64xf32, #tpu.memory_space<hbm>> -> memref<1000000x64xf32, #tpu.memory_space<hbm>>
      tpu.enqueue_indirect_dma source(%dma_start3A_69 : memref<1000000x64xf32, #tpu.memory_space<hbm>>) target(%arg7 : memref<256x64xf32, #tpu.memory_space<vmem>>) offsets(%dma_start3A_66 : memref<256xi32, #tpu.memory_space<vmem>>) semaphore(%arg11 : memref<!tpu.dma_semaphore, #tpu.memory_space<semaphore_mem>>)
      %dma_wait3A_70 = arith.constant 0 : i32
      %dma_wait3A_71 = arith.constant 0 : i32
      %dma_wait3A_72 = tpu.memref_slice %arg3[%dma_wait3A_70, %dma_wait3A_71] : memref<1000000x64xf32, #tpu.memory_space<hbm>> -> memref<256x64xf32, #tpu.memory_space<hbm>>
      %dma_wait3A_73 = arith.constant 0 : i32
      %dma_wait3A_74 = arith.constant 0 : i32
      %dma_wait3A_75 = tpu.memref_slice %arg3[%dma_wait3A_73, %dma_wait3A_74] : memref<1000000x64xf32, #tpu.memory_space<hbm>> -> memref<256x64xf32, #tpu.memory_space<hbm>>
      tpu.wait_dma2 semaphore(%arg10 : memref<!tpu.dma_semaphore, #tpu.memory_space<semaphore_mem>>) src(%dma_wait3A_75 : memref<256x64xf32, #tpu.memory_space<hbm>>) dst(%arg6 : memref<256x64xf32, #tpu.memory_space<vmem>>)
      %gt3A = arith.constant 0 : i32
      %gt3A_76 = arith.cmpi sgt, %add3A_30, %gt3A : i32
      %convert_element_type3A = arith.extui %gt3A_76 : i1 to i32
      %cond3A = arith.constant 0 : i32
      %cond3A_77 = arith.cmpi ne, %convert_element_type3A, %cond3A : i32
      scf.if %cond3A_77 {
        %dma_wait3A_206 = arith.constant 0 : i32
        %dma_wait3A_207 = arith.constant 0 : i32
        %dma_wait3A_208 = tpu.memref_slice %arg4[%dma_wait3A_206, %dma_wait3A_207, %mul3A_2] : memref<50x64x16384xf32, #tpu.memory_space<hbm>> -> memref<1x64x256xf32, #tpu.memory_space<hbm>>
        %dma_wait3A_209 = tpu.memref_squeeze %dma_wait3A_208 : memref<1x64x256xf32, #tpu.memory_space<hbm>> -> memref<64x256xf32, #tpu.memory_space<hbm>>
        %dma_wait3A_210 = arith.constant 0 : i32
        %dma_wait3A_211 = tpu.memref_slice %arg4[%dma_wait3A_206, %dma_wait3A_210, %mul3A_2] : memref<50x64x16384xf32, #tpu.memory_space<hbm>> -> memref<1x64x256xf32, #tpu.memory_space<hbm>>
        %dma_wait3A_212 = tpu.memref_squeeze %dma_wait3A_211 : memref<1x64x256xf32, #tpu.memory_space<hbm>> -> memref<64x256xf32, #tpu.memory_space<hbm>>
        tpu.wait_dma2 semaphore(%arg12 : memref<!tpu.dma_semaphore, #tpu.memory_space<semaphore_mem>>) src(%arg8 : memref<64x256xf32, #tpu.memory_space<vmem>>) dst(%dma_wait3A_212 : memref<64x256xf32, #tpu.memory_space<hbm>>)
      } else {
      }
      %scan3A_78 = arith.constant 0 : i32
      %scan3A_79 = arith.constant 64 : i32
      %scan3A_80 = arith.addi %scan3A_78, %scan3A_79 : i32
      %scan3A_81 = arith.constant 1 : i32
      scf.for %scan3A_206 = %scan3A_78 to %scan3A_80 step %scan3A_81  : i32 {
        %mul3A_207 = arith.constant 1 : i32
        %mul3A_208 = arith.muli %scan3A_206, %mul3A_207 : i32
        %add3A_209 = arith.constant 0 : i32
        %add3A_210 = arith.addi %add3A_209, %mul3A_208 : i32
        %broadcast_in_dim3A = vector.broadcast %add3A_210 : i32 to vector<16xi32>
        %add3A_211 = arith.constant 0 : i32
        %add3A_212 = vector.broadcast %add3A_211 : i32 to vector<16xi32>
        %add3A_213 = arith.addi %iota3A, %add3A_212 : vector<16xi32>
        %gather3A = tpu.vector_load_idx %arg6[%add3A_213, %broadcast_in_dim3A] : memref<256x64xf32, #tpu.memory_space<vmem>>[vector<16xi32>, vector<16xi32>], vector<16xf32>,
        %swap3A = arith.index_cast %add3A_210 : i32 to index
        %swap3A_214 = arith.constant 0 : index
        %swap3A_215 = tpu.vector_load %arg8[%swap3A, %swap3A_214] {strides = array<i32>} : memref<64x256xf32, #tpu.memory_space<vmem>>, vector<16xf32>,
        tpu.vector_store %arg8[%swap3A, %swap3A_214], %gather3A {strides = array<i32>} : memref<64x256xf32, #tpu.memory_space<vmem>>, vector<16xf32>,
        %add3A_216 = arith.constant 16 : i32
        %add3A_217 = vector.broadcast %add3A_216 : i32 to vector<16xi32>
        %add3A_218 = arith.addi %iota3A, %add3A_217 : vector<16xi32>
        %gather3A_219 = tpu.vector_load_idx %arg6[%add3A_218, %broadcast_in_dim3A] : memref<256x64xf32, #tpu.memory_space<vmem>>[vector<16xi32>, vector<16xi32>], vector<16xf32>,
        %swap3A_220 = arith.index_cast %add3A_210 : i32 to index
        %swap3A_221 = arith.constant 16 : index
        %swap3A_222 = tpu.vector_load %arg8[%swap3A_220, %swap3A_221] {strides = array<i32>} : memref<64x256xf32, #tpu.memory_space<vmem>>, vector<16xf32>,
        tpu.vector_store %arg8[%swap3A_220, %swap3A_221], %gather3A_219 {strides = array<i32>} : memref<64x256xf32, #tpu.memory_space<vmem>>, vector<16xf32>,
        %add3A_223 = arith.constant 32 : i32
        %add3A_224 = vector.broadcast %add3A_223 : i32 to vector<16xi32>
        %add3A_225 = arith.addi %iota3A, %add3A_224 : vector<16xi32>
        %gather3A_226 = tpu.vector_load_idx %arg6[%add3A_225, %broadcast_in_dim3A] : memref<256x64xf32, #tpu.memory_space<vmem>>[vector<16xi32>, vector<16xi32>], vector<16xf32>,
        %swap3A_227 = arith.index_cast %add3A_210 : i32 to index
        %swap3A_228 = arith.constant 32 : index
        %swap3A_229 = tpu.vector_load %arg8[%swap3A_227, %swap3A_228] {strides = array<i32>} : memref<64x256xf32, #tpu.memory_space<vmem>>, vector<16xf32>,
        tpu.vector_store %arg8[%swap3A_227, %swap3A_228], %gather3A_226 {strides = array<i32>} : memref<64x256xf32, #tpu.memory_space<vmem>>, vector<16xf32>,
        %add3A_230 = arith.constant 48 : i32
        %add3A_231 = vector.broadcast %add3A_230 : i32 to vector<16xi32>
        %add3A_232 = arith.addi %iota3A, %add3A_231 : vector<16xi32>
        %gather3A_233 = tpu.vector_load_idx %arg6[%add3A_232, %broadcast_in_dim3A] : memref<256x64xf32, #tpu.memory_space<vmem>>[vector<16xi32>, vector<16xi32>], vector<16xf32>,
        %swap3A_234 = arith.index_cast %add3A_210 : i32 to index
        %swap3A_235 = arith.constant 48 : index
        %swap3A_236 = tpu.vector_load %arg8[%swap3A_234, %swap3A_235] {strides = array<i32>} : memref<64x256xf32, #tpu.memory_space<vmem>>, vector<16xf32>,
        tpu.vector_store %arg8[%swap3A_234, %swap3A_235], %gather3A_233 {strides = array<i32>} : memref<64x256xf32, #tpu.memory_space<vmem>>, vector<16xf32>,
        %add3A_237 = arith.constant 64 : i32
        %add3A_238 = vector.broadcast %add3A_237 : i32 to vector<16xi32>
        %add3A_239 = arith.addi %iota3A, %add3A_238 : vector<16xi32>
        %gather3A_240 = tpu.vector_load_idx %arg6[%add3A_239, %broadcast_in_dim3A] : memref<256x64xf32, #tpu.memory_space<vmem>>[vector<16xi32>, vector<16xi32>], vector<16xf32>,
        %swap3A_241 = arith.index_cast %add3A_210 : i32 to index
        %swap3A_242 = arith.constant 64 : index
        %swap3A_243 = tpu.vector_load %arg8[%swap3A_241, %swap3A_242] {strides = array<i32>} : memref<64x256xf32, #tpu.memory_space<vmem>>, vector<16xf32>,
        tpu.vector_store %arg8[%swap3A_241, %swap3A_242], %gather3A_240 {strides = array<i32>} : memref<64x256xf32, #tpu.memory_space<vmem>>, vector<16xf32>,
        %add3A_244 = arith.constant 80 : i32
        %add3A_245 = vector.broadcast %add3A_244 : i32 to vector<16xi32>
        %add3A_246 = arith.addi %iota3A, %add3A_245 : vector<16xi32>
        %gather3A_247 = tpu.vector_load_idx %arg6[%add3A_246, %broadcast_in_dim3A] : memref<256x64xf32, #tpu.memory_space<vmem>>[vector<16xi32>, vector<16xi32>], vector<16xf32>,
        %swap3A_248 = arith.index_cast %add3A_210 : i32 to index
        %swap3A_249 = arith.constant 80 : index
        %swap3A_250 = tpu.vector_load %arg8[%swap3A_248, %swap3A_249] {strides = array<i32>} : memref<64x256xf32, #tpu.memory_space<vmem>>, vector<16xf32>,
        tpu.vector_store %arg8[%swap3A_248, %swap3A_249], %gather3A_247 {strides = array<i32>} : memref<64x256xf32, #tpu.memory_space<vmem>>, vector<16xf32>,
        %add3A_251 = arith.constant 96 : i32
        %add3A_252 = vector.broadcast %add3A_251 : i32 to vector<16xi32>
        %add3A_253 = arith.addi %iota3A, %add3A_252 : vector<16xi32>
        %gather3A_254 = tpu.vector_load_idx %arg6[%add3A_253, %broadcast_in_dim3A] : memref<256x64xf32, #tpu.memory_space<vmem>>[vector<16xi32>, vector<16xi32>], vector<16xf32>,
        %swap3A_255 = arith.index_cast %add3A_210 : i32 to index
        %swap3A_256 = arith.constant 96 : index
        %swap3A_257 = tpu.vector_load %arg8[%swap3A_255, %swap3A_256] {strides = array<i32>} : memref<64x256xf32, #tpu.memory_space<vmem>>, vector<16xf32>,
        tpu.vector_store %arg8[%swap3A_255, %swap3A_256], %gather3A_254 {strides = array<i32>} : memref<64x256xf32, #tpu.memory_space<vmem>>, vector<16xf32>,
        %add3A_258 = arith.constant 112 : i32
        %add3A_259 = vector.broadcast %add3A_258 : i32 to vector<16xi32>
        %add3A_260 = arith.addi %iota3A, %add3A_259 : vector<16xi32>
        %gather3A_261 = tpu.vector_load_idx %arg6[%add3A_260, %broadcast_in_dim3A] : memref<256x64xf32, #tpu.memory_space<vmem>>[vector<16xi32>, vector<16xi32>], vector<16xf32>,
        %swap3A_262 = arith.index_cast %add3A_210 : i32 to index
        %swap3A_263 = arith.constant 112 : index
        %swap3A_264 = tpu.vector_load %arg8[%swap3A_262, %swap3A_263] {strides = array<i32>} : memref<64x256xf32, #tpu.memory_space<vmem>>, vector<16xf32>,
        tpu.vector_store %arg8[%swap3A_262, %swap3A_263], %gather3A_261 {strides = array<i32>} : memref<64x256xf32, #tpu.memory_space<vmem>>, vector<16xf32>,
        %add3A_265 = arith.constant 128 : i32
        %add3A_266 = vector.broadcast %add3A_265 : i32 to vector<16xi32>
        %add3A_267 = arith.addi %iota3A, %add3A_266 : vector<16xi32>
        %gather3A_268 = tpu.vector_load_idx %arg6[%add3A_267, %broadcast_in_dim3A] : memref<256x64xf32, #tpu.memory_space<vmem>>[vector<16xi32>, vector<16xi32>], vector<16xf32>,
        %swap3A_269 = arith.index_cast %add3A_210 : i32 to index
        %swap3A_270 = arith.constant 128 : index
        %swap3A_271 = tpu.vector_load %arg8[%swap3A_269, %swap3A_270] {strides = array<i32>} : memref<64x256xf32, #tpu.memory_space<vmem>>, vector<16xf32>,
        tpu.vector_store %arg8[%swap3A_269, %swap3A_270], %gather3A_268 {strides = array<i32>} : memref<64x256xf32, #tpu.memory_space<vmem>>, vector<16xf32>,
        %add3A_272 = arith.constant 144 : i32
        %add3A_273 = vector.broadcast %add3A_272 : i32 to vector<16xi32>
        %add3A_274 = arith.addi %iota3A, %add3A_273 : vector<16xi32>
        %gather3A_275 = tpu.vector_load_idx %arg6[%add3A_274, %broadcast_in_dim3A] : memref<256x64xf32, #tpu.memory_space<vmem>>[vector<16xi32>, vector<16xi32>], vector<16xf32>,
        %swap3A_276 = arith.index_cast %add3A_210 : i32 to index
        %swap3A_277 = arith.constant 144 : index
        %swap3A_278 = tpu.vector_load %arg8[%swap3A_276, %swap3A_277] {strides = array<i32>} : memref<64x256xf32, #tpu.memory_space<vmem>>, vector<16xf32>,
        tpu.vector_store %arg8[%swap3A_276, %swap3A_277], %gather3A_275 {strides = array<i32>} : memref<64x256xf32, #tpu.memory_space<vmem>>, vector<16xf32>,
        %add3A_279 = arith.constant 160 : i32
        %add3A_280 = vector.broadcast %add3A_279 : i32 to vector<16xi32>
        %add3A_281 = arith.addi %iota3A, %add3A_280 : vector<16xi32>
        %gather3A_282 = tpu.vector_load_idx %arg6[%add3A_281, %broadcast_in_dim3A] : memref<256x64xf32, #tpu.memory_space<vmem>>[vector<16xi32>, vector<16xi32>], vector<16xf32>,
        %swap3A_283 = arith.index_cast %add3A_210 : i32 to index
        %swap3A_284 = arith.constant 160 : index
        %swap3A_285 = tpu.vector_load %arg8[%swap3A_283, %swap3A_284] {strides = array<i32>} : memref<64x256xf32, #tpu.memory_space<vmem>>, vector<16xf32>,
        tpu.vector_store %arg8[%swap3A_283, %swap3A_284], %gather3A_282 {strides = array<i32>} : memref<64x256xf32, #tpu.memory_space<vmem>>, vector<16xf32>,
        %add3A_286 = arith.constant 176 : i32
        %add3A_287 = vector.broadcast %add3A_286 : i32 to vector<16xi32>
        %add3A_288 = arith.addi %iota3A, %add3A_287 : vector<16xi32>
        %gather3A_289 = tpu.vector_load_idx %arg6[%add3A_288, %broadcast_in_dim3A] : memref<256x64xf32, #tpu.memory_space<vmem>>[vector<16xi32>, vector<16xi32>], vector<16xf32>,
        %swap3A_290 = arith.index_cast %add3A_210 : i32 to index
        %swap3A_291 = arith.constant 176 : index
        %swap3A_292 = tpu.vector_load %arg8[%swap3A_290, %swap3A_291] {strides = array<i32>} : memref<64x256xf32, #tpu.memory_space<vmem>>, vector<16xf32>,
        tpu.vector_store %arg8[%swap3A_290, %swap3A_291], %gather3A_289 {strides = array<i32>} : memref<64x256xf32, #tpu.memory_space<vmem>>, vector<16xf32>,
        %add3A_293 = arith.constant 192 : i32
        %add3A_294 = vector.broadcast %add3A_293 : i32 to vector<16xi32>
        %add3A_295 = arith.addi %iota3A, %add3A_294 : vector<16xi32>
        %gather3A_296 = tpu.vector_load_idx %arg6[%add3A_295, %broadcast_in_dim3A] : memref<256x64xf32, #tpu.memory_space<vmem>>[vector<16xi32>, vector<16xi32>], vector<16xf32>,
        %swap3A_297 = arith.index_cast %add3A_210 : i32 to index
        %swap3A_298 = arith.constant 192 : index
        %swap3A_299 = tpu.vector_load %arg8[%swap3A_297, %swap3A_298] {strides = array<i32>} : memref<64x256xf32, #tpu.memory_space<vmem>>, vector<16xf32>,
        tpu.vector_store %arg8[%swap3A_297, %swap3A_298], %gather3A_296 {strides = array<i32>} : memref<64x256xf32, #tpu.memory_space<vmem>>, vector<16xf32>,
        %add3A_300 = arith.constant 208 : i32
        %add3A_301 = vector.broadcast %add3A_300 : i32 to vector<16xi32>
        %add3A_302 = arith.addi %iota3A, %add3A_301 : vector<16xi32>
        %gather3A_303 = tpu.vector_load_idx %arg6[%add3A_302, %broadcast_in_dim3A] : memref<256x64xf32, #tpu.memory_space<vmem>>[vector<16xi32>, vector<16xi32>], vector<16xf32>,
        %swap3A_304 = arith.index_cast %add3A_210 : i32 to index
        %swap3A_305 = arith.constant 208 : index
        %swap3A_306 = tpu.vector_load %arg8[%swap3A_304, %swap3A_305] {strides = array<i32>} : memref<64x256xf32, #tpu.memory_space<vmem>>, vector<16xf32>,
        tpu.vector_store %arg8[%swap3A_304, %swap3A_305], %gather3A_303 {strides = array<i32>} : memref<64x256xf32, #tpu.memory_space<vmem>>, vector<16xf32>,
        %add3A_307 = arith.constant 224 : i32
        %add3A_308 = vector.broadcast %add3A_307 : i32 to vector<16xi32>
        %add3A_309 = arith.addi %iota3A, %add3A_308 : vector<16xi32>
        %gather3A_310 = tpu.vector_load_idx %arg6[%add3A_309, %broadcast_in_dim3A] : memref<256x64xf32, #tpu.memory_space<vmem>>[vector<16xi32>, vector<16xi32>], vector<16xf32>,
        %swap3A_311 = arith.index_cast %add3A_210 : i32 to index
        %swap3A_312 = arith.constant 224 : index
        %swap3A_313 = tpu.vector_load %arg8[%swap3A_311, %swap3A_312] {strides = array<i32>} : memref<64x256xf32, #tpu.memory_space<vmem>>, vector<16xf32>,
        tpu.vector_store %arg8[%swap3A_311, %swap3A_312], %gather3A_310 {strides = array<i32>} : memref<64x256xf32, #tpu.memory_space<vmem>>, vector<16xf32>,
        %add3A_314 = arith.constant 240 : i32
        %add3A_315 = vector.broadcast %add3A_314 : i32 to vector<16xi32>
        %add3A_316 = arith.addi %iota3A, %add3A_315 : vector<16xi32>
        %gather3A_317 = tpu.vector_load_idx %arg6[%add3A_316, %broadcast_in_dim3A] : memref<256x64xf32, #tpu.memory_space<vmem>>[vector<16xi32>, vector<16xi32>], vector<16xf32>,
        %swap3A_318 = arith.index_cast %add3A_210 : i32 to index
        %swap3A_319 = arith.constant 240 : index
        %swap3A_320 = tpu.vector_load %arg8[%swap3A_318, %swap3A_319] {strides = array<i32>} : memref<64x256xf32, #tpu.memory_space<vmem>>, vector<16xf32>,
        tpu.vector_store %arg8[%swap3A_318, %swap3A_319], %gather3A_317 {strides = array<i32>} : memref<64x256xf32, #tpu.memory_space<vmem>>, vector<16xf32>,
      }
      %scan3A_82 = arith.constant 64 : i32
      %jit3A_83 = arith.constant 2 : i32
      %div3A_84 = arith.divsi %add3A_30, %jit3A_83 : i32
      %sign3A_85 = arith.constant 0 : i32
      %sign3A_86 = arith.cmpi sgt, %add3A_30, %sign3A_85 : i32
      %sign3A_87 = arith.extui %sign3A_86 : i1 to i32
      %sign3A_88 = arith.constant 0 : i32
      %sign3A_89 = arith.cmpi slt, %add3A_30, %sign3A_88 : i32
      %sign3A_90 = arith.extui %sign3A_89 : i1 to i32
      %sign3A_91 = arith.subi %sign3A_87, %sign3A_90 : i32
      %sign3A_92 = arith.constant 0 : i32
      %sign3A_93 = arith.cmpi sgt, %jit3A_83, %sign3A_92 : i32
      %sign3A_94 = arith.extui %sign3A_93 : i1 to i32
      %sign3A_95 = arith.constant 0 : i32
      %sign3A_96 = arith.cmpi slt, %jit3A_83, %sign3A_95 : i32
      %sign3A_97 = arith.extui %sign3A_96 : i1 to i32
      %sign3A_98 = arith.subi %sign3A_94, %sign3A_97 : i32
      %ne3A_99 = arith.cmpi ne, %sign3A_91, %sign3A_98 : i32
      %rem3A_100 = arith.remsi %add3A_30, %jit3A_83 : i32
      %ne3A_101 = arith.constant 0 : i32
      %ne3A_102 = arith.cmpi ne, %rem3A_100, %ne3A_101 : i32
      %and3A_103 = arith.andi %ne3A_99, %ne3A_102 : i1
      %sub3A_104 = arith.constant 1 : i32
      %sub3A_105 = arith.subi %div3A_84, %sub3A_104 : i32
      %select_n3A_106 = arith.select %and3A_103, %sub3A_105, %div3A_84 : i32
      %jit3A_107 = arith.constant 2 : i32
      %eq3A_108 = arith.constant 0 : i32
      %eq3A_109 = arith.cmpi eq, %jit3A_107, %eq3A_108 : i32
      %jit3A_110 = arith.constant 1 : i32
      %select_n3A_111 = arith.select %eq3A_109, %jit3A_110, %jit3A_107 : i32
      %rem3A_112 = arith.remsi %add3A_30, %select_n3A_111 : i32
      %ne3A_113 = arith.constant 0 : i32
      %ne3A_114 = arith.cmpi ne, %rem3A_112, %ne3A_113 : i32
      %lt3A_115 = arith.constant 0 : i32
      %lt3A_116 = arith.cmpi slt, %rem3A_112, %lt3A_115 : i32
      %lt3A_117 = arith.constant 0 : i32
      %lt3A_118 = arith.cmpi slt, %select_n3A_111, %lt3A_117 : i32
      %ne3A_119 = arith.xori %lt3A_116, %lt3A_118 : i1
      %and3A_120 = arith.andi %ne3A_119, %ne3A_114 : i1
      %add3A_121 = arith.addi %rem3A_112, %select_n3A_111 : i32
      %select_n3A_122 = arith.select %and3A_120, %add3A_121, %rem3A_112 : i32
      %mul3A_123 = arith.constant 256 : i32
      %mul3A_124 = arith.muli %select_n3A_122, %mul3A_123 : i32
      %add3A_125 = arith.addi %mul3A_2, %mul3A_124 : i32
      %dma_start3A_126 = arith.constant 0 : i32
      %dma_start3A_127 = tpu.memref_slice %arg4[%select_n3A_106, %dma_start3A_126, %add3A_125] : memref<50x64x16384xf32, #tpu.memory_space<hbm>> -> memref<1x64x256xf32, #tpu.memory_space<hbm>>
      %dma_start3A_128 = tpu.memref_squeeze %dma_start3A_127 : memref<1x64x256xf32, #tpu.memory_space<hbm>> -> memref<64x256xf32, #tpu.memory_space<hbm>>
      %dma_start3A_129 = arith.constant 0 : i32
      %dma_start3A_130 = tpu.memref_slice %arg4[%select_n3A_106, %dma_start3A_129, %add3A_125] : memref<50x64x16384xf32, #tpu.memory_space<hbm>> -> memref<1x64x256xf32, #tpu.memory_space<hbm>>
      %dma_start3A_131 = tpu.memref_squeeze %dma_start3A_130 : memref<1x64x256xf32, #tpu.memory_space<hbm>> -> memref<64x256xf32, #tpu.memory_space<hbm>>
      tpu.enqueue_dma source(%arg8 : memref<64x256xf32, #tpu.memory_space<vmem>>) target(%dma_start3A_131 : memref<64x256xf32, #tpu.memory_space<hbm>>) target_semaphore(%arg12 : memref<!tpu.dma_semaphore, #tpu.memory_space<semaphore_mem>>)
      %add3A_132 = arith.constant 2 : i32
      %add3A_133 = arith.addi %add3A_30, %add3A_132 : i32
      %lt3A_134 = arith.constant 100 : i32
      %lt3A_135 = arith.cmpi slt, %add3A_133, %lt3A_134 : i32
      %convert_element_type3A_136 = arith.extui %lt3A_135 : i1 to i32
      %cond3A_137 = arith.constant 0 : i32
      %cond3A_138 = arith.cmpi ne, %convert_element_type3A_136, %cond3A_137 : i32
      scf.if %cond3A_138 {
        %add3A_206 = arith.constant 2 : i32
        %add3A_207 = arith.addi %add3A_30, %add3A_206 : i32
        %jit3A_208 = arith.constant 2 : i32
        %div3A_209 = arith.divsi %add3A_207, %jit3A_208 : i32
        %sign3A_210 = arith.constant 0 : i32
        %sign3A_211 = arith.cmpi sgt, %add3A_207, %sign3A_210 : i32
        %sign3A_212 = arith.extui %sign3A_211 : i1 to i32
        %sign3A_213 = arith.constant 0 : i32
        %sign3A_214 = arith.cmpi slt, %add3A_207, %sign3A_213 : i32
        %sign3A_215 = arith.extui %sign3A_214 : i1 to i32
        %sign3A_216 = arith.subi %sign3A_212, %sign3A_215 : i32
        %sign3A_217 = arith.constant 0 : i32
        %sign3A_218 = arith.cmpi sgt, %jit3A_208, %sign3A_217 : i32
        %sign3A_219 = arith.extui %sign3A_218 : i1 to i32
        %sign3A_220 = arith.constant 0 : i32
        %sign3A_221 = arith.cmpi slt, %jit3A_208, %sign3A_220 : i32
        %sign3A_222 = arith.extui %sign3A_221 : i1 to i32
        %sign3A_223 = arith.subi %sign3A_219, %sign3A_222 : i32
        %ne3A_224 = arith.cmpi ne, %sign3A_216, %sign3A_223 : i32
        %rem3A_225 = arith.remsi %add3A_207, %jit3A_208 : i32
        %ne3A_226 = arith.constant 0 : i32
        %ne3A_227 = arith.cmpi ne, %rem3A_225, %ne3A_226 : i32
        %and3A_228 = arith.andi %ne3A_224, %ne3A_227 : i1
        %sub3A_229 = arith.constant 1 : i32
        %sub3A_230 = arith.subi %div3A_209, %sub3A_229 : i32
        %select_n3A_231 = arith.select %and3A_228, %sub3A_230, %div3A_209 : i32
        %jit3A_232 = arith.constant 2 : i32
        %eq3A_233 = arith.constant 0 : i32
        %eq3A_234 = arith.cmpi eq, %jit3A_232, %eq3A_233 : i32
        %jit3A_235 = arith.constant 1 : i32
        %select_n3A_236 = arith.select %eq3A_234, %jit3A_235, %jit3A_232 : i32
        %rem3A_237 = arith.remsi %add3A_207, %select_n3A_236 : i32
        %ne3A_238 = arith.constant 0 : i32
        %ne3A_239 = arith.cmpi ne, %rem3A_237, %ne3A_238 : i32
        %lt3A_240 = arith.constant 0 : i32
        %lt3A_241 = arith.cmpi slt, %rem3A_237, %lt3A_240 : i32
        %lt3A_242 = arith.constant 0 : i32
        %lt3A_243 = arith.cmpi slt, %select_n3A_236, %lt3A_242 : i32
        %ne3A_244 = arith.xori %lt3A_241, %lt3A_243 : i1
        %and3A_245 = arith.andi %ne3A_244, %ne3A_239 : i1
        %add3A_246 = arith.addi %rem3A_237, %select_n3A_236 : i32
        %select_n3A_247 = arith.select %and3A_245, %add3A_246, %rem3A_237 : i32
        %mul3A_248 = arith.constant 256 : i32
        %mul3A_249 = arith.muli %select_n3A_247, %mul3A_248 : i32
        %dma_start3A_250 = tpu.memref_slice %arg5[%select_n3A_231, %mul3A_249] : memref<50x512xi32, #tpu.memory_space<vmem>> -> memref<1x256xi32, #tpu.memory_space<vmem>>
        %dma_start3A_251 = tpu.memref_squeeze %dma_start3A_250 : memref<1x256xi32, #tpu.memory_space<vmem>> -> memref<256xi32, #tpu.memory_space<vmem>>
        %dma_start3A_252 = arith.constant 0 : i32
        %dma_start3A_253 = arith.constant 0 : i32
        %dma_start3A_254 = tpu.memref_slice %arg3[%dma_start3A_252, %dma_start3A_253] : memref<1000000x64xf32, #tpu.memory_space<hbm>> -> memref<1000000x64xf32, #tpu.memory_space<hbm>>
        tpu.enqueue_indirect_dma source(%dma_start3A_254 : memref<1000000x64xf32, #tpu.memory_space<hbm>>) target(%arg6 : memref<256x64xf32, #tpu.memory_space<vmem>>) offsets(%dma_start3A_251 : memref<256xi32, #tpu.memory_space<vmem>>) semaphore(%arg10 : memref<!tpu.dma_semaphore, #tpu.memory_space<semaphore_mem>>)
      } else {
      }
      %dma_wait3A_139 = arith.constant 0 : i32
      %dma_wait3A_140 = arith.constant 0 : i32
      %dma_wait3A_141 = tpu.memref_slice %arg3[%dma_wait3A_139, %dma_wait3A_140] : memref<1000000x64xf32, #tpu.memory_space<hbm>> -> memref<256x64xf32, #tpu.memory_space<hbm>>
      %dma_wait3A_142 = arith.constant 0 : i32
      %dma_wait3A_143 = arith.constant 0 : i32
      %dma_wait3A_144 = tpu.memref_slice %arg3[%dma_wait3A_142, %dma_wait3A_143] : memref<1000000x64xf32, #tpu.memory_space<hbm>> -> memref<256x64xf32, #tpu.memory_space<hbm>>
      tpu.wait_dma2 semaphore(%arg11 : memref<!tpu.dma_semaphore, #tpu.memory_space<semaphore_mem>>) src(%dma_wait3A_144 : memref<256x64xf32, #tpu.memory_space<hbm>>) dst(%arg7 : memref<256x64xf32, #tpu.memory_space<vmem>>)
      %gt3A_145 = arith.constant 0 : i32
      %gt3A_146 = arith.cmpi sgt, %add3A_30, %gt3A_145 : i32
      %convert_element_type3A_147 = arith.extui %gt3A_146 : i1 to i32
      %cond3A_148 = arith.constant 0 : i32
      %cond3A_149 = arith.cmpi ne, %convert_element_type3A_147, %cond3A_148 : i32
      scf.if %cond3A_149 {
        %dma_wait3A_206 = arith.constant 0 : i32
        %dma_wait3A_207 = arith.constant 0 : i32
        %dma_wait3A_208 = tpu.memref_slice %arg4[%dma_wait3A_206, %dma_wait3A_207, %mul3A_2] : memref<50x64x16384xf32, #tpu.memory_space<hbm>> -> memref<1x64x256xf32, #tpu.memory_space<hbm>>
        %dma_wait3A_209 = tpu.memref_squeeze %dma_wait3A_208 : memref<1x64x256xf32, #tpu.memory_space<hbm>> -> memref<64x256xf32, #tpu.memory_space<hbm>>
        %dma_wait3A_210 = arith.constant 0 : i32
        %dma_wait3A_211 = tpu.memref_slice %arg4[%dma_wait3A_206, %dma_wait3A_210, %mul3A_2] : memref<50x64x16384xf32, #tpu.memory_space<hbm>> -> memref<1x64x256xf32, #tpu.memory_space<hbm>>
        %dma_wait3A_212 = tpu.memref_squeeze %dma_wait3A_211 : memref<1x64x256xf32, #tpu.memory_space<hbm>> -> memref<64x256xf32, #tpu.memory_space<hbm>>
        tpu.wait_dma2 semaphore(%arg13 : memref<!tpu.dma_semaphore, #tpu.memory_space<semaphore_mem>>) src(%arg9 : memref<64x256xf32, #tpu.memory_space<vmem>>) dst(%dma_wait3A_212 : memref<64x256xf32, #tpu.memory_space<hbm>>)
      } else {
      }
      %scan3A_150 = arith.constant 0 : i32
      %scan3A_151 = arith.constant 64 : i32
      %scan3A_152 = arith.addi %scan3A_150, %scan3A_151 : i32
      %scan3A_153 = arith.constant 1 : i32
      scf.for %scan3A_206 = %scan3A_150 to %scan3A_152 step %scan3A_153  : i32 {
        %mul3A_207 = arith.constant 1 : i32
        %mul3A_208 = arith.muli %scan3A_206, %mul3A_207 : i32
        %add3A_209 = arith.constant 0 : i32
        %add3A_210 = arith.addi %add3A_209, %mul3A_208 : i32
        %broadcast_in_dim3A = vector.broadcast %add3A_210 : i32 to vector<16xi32>
        %add3A_211 = arith.constant 0 : i32
        %add3A_212 = vector.broadcast %add3A_211 : i32 to vector<16xi32>
        %add3A_213 = arith.addi %iota3A, %add3A_212 : vector<16xi32>
        %gather3A = tpu.vector_load_idx %arg7[%add3A_213, %broadcast_in_dim3A] : memref<256x64xf32, #tpu.memory_space<vmem>>[vector<16xi32>, vector<16xi32>], vector<16xf32>,
        %swap3A = arith.index_cast %add3A_210 : i32 to index
        %swap3A_214 = arith.constant 0 : index
        %swap3A_215 = tpu.vector_load %arg9[%swap3A, %swap3A_214] {strides = array<i32>} : memref<64x256xf32, #tpu.memory_space<vmem>>, vector<16xf32>,
        tpu.vector_store %arg9[%swap3A, %swap3A_214], %gather3A {strides = array<i32>} : memref<64x256xf32, #tpu.memory_space<vmem>>, vector<16xf32>,
        %add3A_216 = arith.constant 16 : i32
        %add3A_217 = vector.broadcast %add3A_216 : i32 to vector<16xi32>
        %add3A_218 = arith.addi %iota3A, %add3A_217 : vector<16xi32>
        %gather3A_219 = tpu.vector_load_idx %arg7[%add3A_218, %broadcast_in_dim3A] : memref<256x64xf32, #tpu.memory_space<vmem>>[vector<16xi32>, vector<16xi32>], vector<16xf32>,
        %swap3A_220 = arith.index_cast %add3A_210 : i32 to index
        %swap3A_221 = arith.constant 16 : index
        %swap3A_222 = tpu.vector_load %arg9[%swap3A_220, %swap3A_221] {strides = array<i32>} : memref<64x256xf32, #tpu.memory_space<vmem>>, vector<16xf32>,
        tpu.vector_store %arg9[%swap3A_220, %swap3A_221], %gather3A_219 {strides = array<i32>} : memref<64x256xf32, #tpu.memory_space<vmem>>, vector<16xf32>,
        %add3A_223 = arith.constant 32 : i32
        %add3A_224 = vector.broadcast %add3A_223 : i32 to vector<16xi32>
        %add3A_225 = arith.addi %iota3A, %add3A_224 : vector<16xi32>
        %gather3A_226 = tpu.vector_load_idx %arg7[%add3A_225, %broadcast_in_dim3A] : memref<256x64xf32, #tpu.memory_space<vmem>>[vector<16xi32>, vector<16xi32>], vector<16xf32>,
        %swap3A_227 = arith.index_cast %add3A_210 : i32 to index
        %swap3A_228 = arith.constant 32 : index
        %swap3A_229 = tpu.vector_load %arg9[%swap3A_227, %swap3A_228] {strides = array<i32>} : memref<64x256xf32, #tpu.memory_space<vmem>>, vector<16xf32>,
        tpu.vector_store %arg9[%swap3A_227, %swap3A_228], %gather3A_226 {strides = array<i32>} : memref<64x256xf32, #tpu.memory_space<vmem>>, vector<16xf32>,
        %add3A_230 = arith.constant 48 : i32
        %add3A_231 = vector.broadcast %add3A_230 : i32 to vector<16xi32>
        %add3A_232 = arith.addi %iota3A, %add3A_231 : vector<16xi32>
        %gather3A_233 = tpu.vector_load_idx %arg7[%add3A_232, %broadcast_in_dim3A] : memref<256x64xf32, #tpu.memory_space<vmem>>[vector<16xi32>, vector<16xi32>], vector<16xf32>,
        %swap3A_234 = arith.index_cast %add3A_210 : i32 to index
        %swap3A_235 = arith.constant 48 : index
        %swap3A_236 = tpu.vector_load %arg9[%swap3A_234, %swap3A_235] {strides = array<i32>} : memref<64x256xf32, #tpu.memory_space<vmem>>, vector<16xf32>,
        tpu.vector_store %arg9[%swap3A_234, %swap3A_235], %gather3A_233 {strides = array<i32>} : memref<64x256xf32, #tpu.memory_space<vmem>>, vector<16xf32>,
        %add3A_237 = arith.constant 64 : i32
        %add3A_238 = vector.broadcast %add3A_237 : i32 to vector<16xi32>
        %add3A_239 = arith.addi %iota3A, %add3A_238 : vector<16xi32>
        %gather3A_240 = tpu.vector_load_idx %arg7[%add3A_239, %broadcast_in_dim3A] : memref<256x64xf32, #tpu.memory_space<vmem>>[vector<16xi32>, vector<16xi32>], vector<16xf32>,
        %swap3A_241 = arith.index_cast %add3A_210 : i32 to index
        %swap3A_242 = arith.constant 64 : index
        %swap3A_243 = tpu.vector_load %arg9[%swap3A_241, %swap3A_242] {strides = array<i32>} : memref<64x256xf32, #tpu.memory_space<vmem>>, vector<16xf32>,
        tpu.vector_store %arg9[%swap3A_241, %swap3A_242], %gather3A_240 {strides = array<i32>} : memref<64x256xf32, #tpu.memory_space<vmem>>, vector<16xf32>,
        %add3A_244 = arith.constant 80 : i32
        %add3A_245 = vector.broadcast %add3A_244 : i32 to vector<16xi32>
        %add3A_246 = arith.addi %iota3A, %add3A_245 : vector<16xi32>
        %gather3A_247 = tpu.vector_load_idx %arg7[%add3A_246, %broadcast_in_dim3A] : memref<256x64xf32, #tpu.memory_space<vmem>>[vector<16xi32>, vector<16xi32>], vector<16xf32>,
        %swap3A_248 = arith.index_cast %add3A_210 : i32 to index
        %swap3A_249 = arith.constant 80 : index
        %swap3A_250 = tpu.vector_load %arg9[%swap3A_248, %swap3A_249] {strides = array<i32>} : memref<64x256xf32, #tpu.memory_space<vmem>>, vector<16xf32>,
        tpu.vector_store %arg9[%swap3A_248, %swap3A_249], %gather3A_247 {strides = array<i32>} : memref<64x256xf32, #tpu.memory_space<vmem>>, vector<16xf32>,
        %add3A_251 = arith.constant 96 : i32
        %add3A_252 = vector.broadcast %add3A_251 : i32 to vector<16xi32>
        %add3A_253 = arith.addi %iota3A, %add3A_252 : vector<16xi32>
        %gather3A_254 = tpu.vector_load_idx %arg7[%add3A_253, %broadcast_in_dim3A] : memref<256x64xf32, #tpu.memory_space<vmem>>[vector<16xi32>, vector<16xi32>], vector<16xf32>,
        %swap3A_255 = arith.index_cast %add3A_210 : i32 to index
        %swap3A_256 = arith.constant 96 : index
        %swap3A_257 = tpu.vector_load %arg9[%swap3A_255, %swap3A_256] {strides = array<i32>} : memref<64x256xf32, #tpu.memory_space<vmem>>, vector<16xf32>,
        tpu.vector_store %arg9[%swap3A_255, %swap3A_256], %gather3A_254 {strides = array<i32>} : memref<64x256xf32, #tpu.memory_space<vmem>>, vector<16xf32>,
        %add3A_258 = arith.constant 112 : i32
        %add3A_259 = vector.broadcast %add3A_258 : i32 to vector<16xi32>
        %add3A_260 = arith.addi %iota3A, %add3A_259 : vector<16xi32>
        %gather3A_261 = tpu.vector_load_idx %arg7[%add3A_260, %broadcast_in_dim3A] : memref<256x64xf32, #tpu.memory_space<vmem>>[vector<16xi32>, vector<16xi32>], vector<16xf32>,
        %swap3A_262 = arith.index_cast %add3A_210 : i32 to index
        %swap3A_263 = arith.constant 112 : index
        %swap3A_264 = tpu.vector_load %arg9[%swap3A_262, %swap3A_263] {strides = array<i32>} : memref<64x256xf32, #tpu.memory_space<vmem>>, vector<16xf32>,
        tpu.vector_store %arg9[%swap3A_262, %swap3A_263], %gather3A_261 {strides = array<i32>} : memref<64x256xf32, #tpu.memory_space<vmem>>, vector<16xf32>,
        %add3A_265 = arith.constant 128 : i32
        %add3A_266 = vector.broadcast %add3A_265 : i32 to vector<16xi32>
        %add3A_267 = arith.addi %iota3A, %add3A_266 : vector<16xi32>
        %gather3A_268 = tpu.vector_load_idx %arg7[%add3A_267, %broadcast_in_dim3A] : memref<256x64xf32, #tpu.memory_space<vmem>>[vector<16xi32>, vector<16xi32>], vector<16xf32>,
        %swap3A_269 = arith.index_cast %add3A_210 : i32 to index
        %swap3A_270 = arith.constant 128 : index
        %swap3A_271 = tpu.vector_load %arg9[%swap3A_269, %swap3A_270] {strides = array<i32>} : memref<64x256xf32, #tpu.memory_space<vmem>>, vector<16xf32>,
        tpu.vector_store %arg9[%swap3A_269, %swap3A_270], %gather3A_268 {strides = array<i32>} : memref<64x256xf32, #tpu.memory_space<vmem>>, vector<16xf32>,
        %add3A_272 = arith.constant 144 : i32
        %add3A_273 = vector.broadcast %add3A_272 : i32 to vector<16xi32>
        %add3A_274 = arith.addi %iota3A, %add3A_273 : vector<16xi32>
        %gather3A_275 = tpu.vector_load_idx %arg7[%add3A_274, %broadcast_in_dim3A] : memref<256x64xf32, #tpu.memory_space<vmem>>[vector<16xi32>, vector<16xi32>], vector<16xf32>,
        %swap3A_276 = arith.index_cast %add3A_210 : i32 to index
        %swap3A_277 = arith.constant 144 : index
        %swap3A_278 = tpu.vector_load %arg9[%swap3A_276, %swap3A_277] {strides = array<i32>} : memref<64x256xf32, #tpu.memory_space<vmem>>, vector<16xf32>,
        tpu.vector_store %arg9[%swap3A_276, %swap3A_277], %gather3A_275 {strides = array<i32>} : memref<64x256xf32, #tpu.memory_space<vmem>>, vector<16xf32>,
        %add3A_279 = arith.constant 160 : i32
        %add3A_280 = vector.broadcast %add3A_279 : i32 to vector<16xi32>
        %add3A_281 = arith.addi %iota3A, %add3A_280 : vector<16xi32>
        %gather3A_282 = tpu.vector_load_idx %arg7[%add3A_281, %broadcast_in_dim3A] : memref<256x64xf32, #tpu.memory_space<vmem>>[vector<16xi32>, vector<16xi32>], vector<16xf32>,
        %swap3A_283 = arith.index_cast %add3A_210 : i32 to index
        %swap3A_284 = arith.constant 160 : index
        %swap3A_285 = tpu.vector_load %arg9[%swap3A_283, %swap3A_284] {strides = array<i32>} : memref<64x256xf32, #tpu.memory_space<vmem>>, vector<16xf32>,
        tpu.vector_store %arg9[%swap3A_283, %swap3A_284], %gather3A_282 {strides = array<i32>} : memref<64x256xf32, #tpu.memory_space<vmem>>, vector<16xf32>,
        %add3A_286 = arith.constant 176 : i32
        %add3A_287 = vector.broadcast %add3A_286 : i32 to vector<16xi32>
        %add3A_288 = arith.addi %iota3A, %add3A_287 : vector<16xi32>
        %gather3A_289 = tpu.vector_load_idx %arg7[%add3A_288, %broadcast_in_dim3A] : memref<256x64xf32, #tpu.memory_space<vmem>>[vector<16xi32>, vector<16xi32>], vector<16xf32>,
        %swap3A_290 = arith.index_cast %add3A_210 : i32 to index
        %swap3A_291 = arith.constant 176 : index
        %swap3A_292 = tpu.vector_load %arg9[%swap3A_290, %swap3A_291] {strides = array<i32>} : memref<64x256xf32, #tpu.memory_space<vmem>>, vector<16xf32>,
        tpu.vector_store %arg9[%swap3A_290, %swap3A_291], %gather3A_289 {strides = array<i32>} : memref<64x256xf32, #tpu.memory_space<vmem>>, vector<16xf32>,
        %add3A_293 = arith.constant 192 : i32
        %add3A_294 = vector.broadcast %add3A_293 : i32 to vector<16xi32>
        %add3A_295 = arith.addi %iota3A, %add3A_294 : vector<16xi32>
        %gather3A_296 = tpu.vector_load_idx %arg7[%add3A_295, %broadcast_in_dim3A] : memref<256x64xf32, #tpu.memory_space<vmem>>[vector<16xi32>, vector<16xi32>], vector<16xf32>,
        %swap3A_297 = arith.index_cast %add3A_210 : i32 to index
        %swap3A_298 = arith.constant 192 : index
        %swap3A_299 = tpu.vector_load %arg9[%swap3A_297, %swap3A_298] {strides = array<i32>} : memref<64x256xf32, #tpu.memory_space<vmem>>, vector<16xf32>,
        tpu.vector_store %arg9[%swap3A_297, %swap3A_298], %gather3A_296 {strides = array<i32>} : memref<64x256xf32, #tpu.memory_space<vmem>>, vector<16xf32>,
        %add3A_300 = arith.constant 208 : i32
        %add3A_301 = vector.broadcast %add3A_300 : i32 to vector<16xi32>
        %add3A_302 = arith.addi %iota3A, %add3A_301 : vector<16xi32>
        %gather3A_303 = tpu.vector_load_idx %arg7[%add3A_302, %broadcast_in_dim3A] : memref<256x64xf32, #tpu.memory_space<vmem>>[vector<16xi32>, vector<16xi32>], vector<16xf32>,
        %swap3A_304 = arith.index_cast %add3A_210 : i32 to index
        %swap3A_305 = arith.constant 208 : index
        %swap3A_306 = tpu.vector_load %arg9[%swap3A_304, %swap3A_305] {strides = array<i32>} : memref<64x256xf32, #tpu.memory_space<vmem>>, vector<16xf32>,
        tpu.vector_store %arg9[%swap3A_304, %swap3A_305], %gather3A_303 {strides = array<i32>} : memref<64x256xf32, #tpu.memory_space<vmem>>, vector<16xf32>,
        %add3A_307 = arith.constant 224 : i32
        %add3A_308 = vector.broadcast %add3A_307 : i32 to vector<16xi32>
        %add3A_309 = arith.addi %iota3A, %add3A_308 : vector<16xi32>
        %gather3A_310 = tpu.vector_load_idx %arg7[%add3A_309, %broadcast_in_dim3A] : memref<256x64xf32, #tpu.memory_space<vmem>>[vector<16xi32>, vector<16xi32>], vector<16xf32>,
        %swap3A_311 = arith.index_cast %add3A_210 : i32 to index
        %swap3A_312 = arith.constant 224 : index
        %swap3A_313 = tpu.vector_load %arg9[%swap3A_311, %swap3A_312] {strides = array<i32>} : memref<64x256xf32, #tpu.memory_space<vmem>>, vector<16xf32>,
        tpu.vector_store %arg9[%swap3A_311, %swap3A_312], %gather3A_310 {strides = array<i32>} : memref<64x256xf32, #tpu.memory_space<vmem>>, vector<16xf32>,
        %add3A_314 = arith.constant 240 : i32
        %add3A_315 = vector.broadcast %add3A_314 : i32 to vector<16xi32>
        %add3A_316 = arith.addi %iota3A, %add3A_315 : vector<16xi32>
        %gather3A_317 = tpu.vector_load_idx %arg7[%add3A_316, %broadcast_in_dim3A] : memref<256x64xf32, #tpu.memory_space<vmem>>[vector<16xi32>, vector<16xi32>], vector<16xf32>,
        %swap3A_318 = arith.index_cast %add3A_210 : i32 to index
        %swap3A_319 = arith.constant 240 : index
        %swap3A_320 = tpu.vector_load %arg9[%swap3A_318, %swap3A_319] {strides = array<i32>} : memref<64x256xf32, #tpu.memory_space<vmem>>, vector<16xf32>,
        tpu.vector_store %arg9[%swap3A_318, %swap3A_319], %gather3A_317 {strides = array<i32>} : memref<64x256xf32, #tpu.memory_space<vmem>>, vector<16xf32>,
      }
      %scan3A_154 = arith.constant 64 : i32
      %add3A_155 = arith.constant 1 : i32
      %add3A_156 = arith.addi %add3A_30, %add3A_155 : i32
      %jit3A_157 = arith.constant 2 : i32
      %div3A_158 = arith.divsi %add3A_156, %jit3A_157 : i32
      %sign3A_159 = arith.constant 0 : i32
      %sign3A_160 = arith.cmpi sgt, %add3A_156, %sign3A_159 : i32
      %sign3A_161 = arith.extui %sign3A_160 : i1 to i32
      %sign3A_162 = arith.constant 0 : i32
      %sign3A_163 = arith.cmpi slt, %add3A_156, %sign3A_162 : i32
      %sign3A_164 = arith.extui %sign3A_163 : i1 to i32
      %sign3A_165 = arith.subi %sign3A_161, %sign3A_164 : i32
      %sign3A_166 = arith.constant 0 : i32
      %sign3A_167 = arith.cmpi sgt, %jit3A_157, %sign3A_166 : i32
      %sign3A_168 = arith.extui %sign3A_167 : i1 to i32
      %sign3A_169 = arith.constant 0 : i32
      %sign3A_170 = arith.cmpi slt, %jit3A_157, %sign3A_169 : i32
      %sign3A_171 = arith.extui %sign3A_170 : i1 to i32
      %sign3A_172 = arith.subi %sign3A_168, %sign3A_171 : i32
      %ne3A_173 = arith.cmpi ne, %sign3A_165, %sign3A_172 : i32
      %rem3A_174 = arith.remsi %add3A_156, %jit3A_157 : i32
      %ne3A_175 = arith.constant 0 : i32
      %ne3A_176 = arith.cmpi ne, %rem3A_174, %ne3A_175 : i32
      %and3A_177 = arith.andi %ne3A_173, %ne3A_176 : i1
      %sub3A_178 = arith.constant 1 : i32
      %sub3A_179 = arith.subi %div3A_158, %sub3A_178 : i32
      %select_n3A_180 = arith.select %and3A_177, %sub3A_179, %div3A_158 : i32
      %jit3A_181 = arith.constant 2 : i32
      %eq3A_182 = arith.constant 0 : i32
      %eq3A_183 = arith.cmpi eq, %jit3A_181, %eq3A_182 : i32
      %jit3A_184 = arith.constant 1 : i32
      %select_n3A_185 = arith.select %eq3A_183, %jit3A_184, %jit3A_181 : i32
      %rem3A_186 = arith.remsi %add3A_156, %select_n3A_185 : i32
      %ne3A_187 = arith.constant 0 : i32
      %ne3A_188 = arith.cmpi ne, %rem3A_186, %ne3A_187 : i32
      %lt3A_189 = arith.constant 0 : i32
      %lt3A_190 = arith.cmpi slt, %rem3A_186, %lt3A_189 : i32
      %lt3A_191 = arith.constant 0 : i32
      %lt3A_192 = arith.cmpi slt, %select_n3A_185, %lt3A_191 : i32
      %ne3A_193 = arith.xori %lt3A_190, %lt3A_192 : i1
      %and3A_194 = arith.andi %ne3A_193, %ne3A_188 : i1
      %add3A_195 = arith.addi %rem3A_186, %select_n3A_185 : i32
      %select_n3A_196 = arith.select %and3A_194, %add3A_195, %rem3A_186 : i32
      %mul3A_197 = arith.constant 256 : i32
      %mul3A_198 = arith.muli %select_n3A_196, %mul3A_197 : i32
      %add3A_199 = arith.addi %mul3A_2, %mul3A_198 : i32
      %dma_start3A_200 = arith.constant 0 : i32
      %dma_start3A_201 = tpu.memref_slice %arg4[%select_n3A_180, %dma_start3A_200, %add3A_199] : memref<50x64x16384xf32, #tpu.memory_space<hbm>> -> memref<1x64x256xf32, #tpu.memory_space<hbm>>
      %dma_start3A_202 = tpu.memref_squeeze %dma_start3A_201 : memref<1x64x256xf32, #tpu.memory_space<hbm>> -> memref<64x256xf32, #tpu.memory_space<hbm>>
      %dma_start3A_203 = arith.constant 0 : i32
      %dma_start3A_204 = tpu.memref_slice %arg4[%select_n3A_180, %dma_start3A_203, %add3A_199] : memref<50x64x16384xf32, #tpu.memory_space<hbm>> -> memref<1x64x256xf32, #tpu.memory_space<hbm>>
      %dma_start3A_205 = tpu.memref_squeeze %dma_start3A_204 : memref<1x64x256xf32, #tpu.memory_space<hbm>> -> memref<64x256xf32, #tpu.memory_space<hbm>>
      tpu.enqueue_dma source(%arg9 : memref<64x256xf32, #tpu.memory_space<vmem>>) target(%dma_start3A_205 : memref<64x256xf32, #tpu.memory_space<hbm>>) target_semaphore(%arg13 : memref<!tpu.dma_semaphore, #tpu.memory_space<semaphore_mem>>)
    }
    %scan3A_12 = arith.constant 50 : i32
    %dma_wait3A = arith.constant 0 : i32
    %dma_wait3A_13 = arith.constant 0 : i32
    %dma_wait3A_14 = tpu.memref_slice %arg4[%dma_wait3A, %dma_wait3A_13, %mul3A_2] : memref<50x64x16384xf32, #tpu.memory_space<hbm>> -> memref<1x64x256xf32, #tpu.memory_space<hbm>>
    %dma_wait3A_15 = tpu.memref_squeeze %dma_wait3A_14 : memref<1x64x256xf32, #tpu.memory_space<hbm>> -> memref<64x256xf32, #tpu.memory_space<hbm>>
    %dma_wait3A_16 = arith.constant 0 : i32
    %dma_wait3A_17 = tpu.memref_slice %arg4[%dma_wait3A, %dma_wait3A_16, %mul3A_2] : memref<50x64x16384xf32, #tpu.memory_space<hbm>> -> memref<1x64x256xf32, #tpu.memory_space<hbm>>
    %dma_wait3A_18 = tpu.memref_squeeze %dma_wait3A_17 : memref<1x64x256xf32, #tpu.memory_space<hbm>> -> memref<64x256xf32, #tpu.memory_space<hbm>>
    tpu.wait_dma2 semaphore(%arg12 : memref<!tpu.dma_semaphore, #tpu.memory_space<semaphore_mem>>) src(%arg8 : memref<64x256xf32, #tpu.memory_space<vmem>>) dst(%dma_wait3A_18 : memref<64x256xf32, #tpu.memory_space<hbm>>)
    %dma_wait3A_19 = arith.constant 0 : i32
    %dma_wait3A_20 = arith.constant 0 : i32
    %dma_wait3A_21 = tpu.memref_slice %arg4[%dma_wait3A_19, %dma_wait3A_20, %mul3A_2] : memref<50x64x16384xf32, #tpu.memory_space<hbm>> -> memref<1x64x256xf32, #tpu.memory_space<hbm>>
    %dma_wait3A_22 = tpu.memref_squeeze %dma_wait3A_21 : memref<1x64x256xf32, #tpu.memory_space<hbm>> -> memref<64x256xf32, #tpu.memory_space<hbm>>
    %dma_wait3A_23 = arith.constant 0 : i32
    %dma_wait3A_24 = tpu.memref_slice %arg4[%dma_wait3A_19, %dma_wait3A_23, %mul3A_2] : memref<50x64x16384xf32, #tpu.memory_space<hbm>> -> memref<1x64x256xf32, #tpu.memory_space<hbm>>
    %dma_wait3A_25 = tpu.memref_squeeze %dma_wait3A_24 : memref<1x64x256xf32, #tpu.memory_space<hbm>> -> memref<64x256xf32, #tpu.memory_space<hbm>>
    tpu.wait_dma2 semaphore(%arg13 : memref<!tpu.dma_semaphore, #tpu.memory_space<semaphore_mem>>) src(%arg9 : memref<64x256xf32, #tpu.memory_space<vmem>>) dst(%dma_wait3A_25 : memref<64x256xf32, #tpu.memory_space<hbm>>)
    return
  }
}

</mosaic_0001>

<sc_bundles>
// kernel: kernel.3.cloned.1.call-start
scs
__scs_entry_jumppad:
0x0: {  	(pc) =	sbr.rel $0x88, $3  }
0x1: {  	(tag) =	ssettag $0x0;
	lr =	simm.s32 $0x1  }
0x2: {  	[smem:$0x3F9F] =	sst lr;
	_ =	strace $0xD0000000  }
0x3: {  	_ = 	snop  }
0x4: {  	_ = 	snop  }
0x5: {  	_ = 	snop  }
0x6: {  	_ = 	snop  }
0x7: {  	_ = 	snop  }
__scs_overlays_trampoline_lowered:
0x8: {  	[smem:$0x3FAE] =	sst s0  }
0x9: {  	[smem:$0x3FAF] =	sst s1  }
0xa: {  	[smem:$0x3FB0] =	sst s2  }
0xb: {  	[smem:$0x3FB1] =	sst s3  }
0xc: {  	[smem:$0x3FB2] =	sst s4  }
0xd: {  	[smem:$0x3FB3] =	sst s5  }
0xe: {  	[smem:$0x3FB4] =	sst s6  }
0xf: {  	[smem:$0x3FB5] =	sst s7  }
0x10: {  	[smem:$0x3FB6] =	sst s8  }
0x11: {  	[smem:$0x3FB7] =	sst s9;
	s0 =	simm.s32 @!p0 $0x0  }
0x12: {  	s1 =	sld [smem:$0x3F9D];
	s0 =	simm.s32 @p0 $0x1  }
0x13: {  	[smem:$0x3FB8] =	sst s0;
	s0 =	simm.s32 @!p1 $0x0  }
0x14: {  	s2 =	sld [smem:$0x3F9C];
	s0 =	simm.s32 @p1 $0x1  }
0x15: {  	[smem:$0x3FB9] =	sst s0;
	s0 =	simm.s32 @!p2 $0x0  }
0x16: {  	s3 =	sld [smem:$0x3FDB];
	s0 =	simm.s32 @p2 $0x1  }
0x17: {  	s4 =	simm.s32 $0x1BF5;
	[smem:$0x3FBB] =	sst s0  }
0x18: {  	s0 =	sld [smem:$0x3F9E];
	_ =	swait.ge [sflag:s4], $0x0  }
0x19: {  	s7 =	sld [smem:$0x3F9F]  }
0x1a: {  	s8 =	sadd.s32 $0xFFFFE003, lr  }
0x1b: {  	s9 =	sadd.s32 $0xFFFFFEF7, lr;
	s5 =	simm.s32 $0xFFFFFFFF;
	p2 =	slt.u32 s8, $0xFFFFF086  }
0x1c: {  	p1 =	slt.u32 s9, $0xF7A;
	s5 =	simm.s32 @!p2 $0x0  }
0x1d: {  	s5 =	simm.s32 @p1 $0x1;
	p0 =	seq.s32 s7, s2  }
0x1e: {  	s7 =	smul.u32 @!p0 $0xF7A, s2;
	p2 =	seq.s32 @!p0 s5, $0x0  }
0x1f: {  	s9 =	smul.u32 $0xF7A, s1;
	s8 =	simm.s32 @!p0 $0x1BF5;
	p2 =	por !p2, p0  }
0x20: {  	[sflag:s8] =	ssyncset.s32 @!p0 $0xFFFFF086;
	s6 =	sadd.s32 @!p0 s3, s7;
	s7 =	simm.s32 @!p0 $0x108  }
0x21: {  	s3 =	sadd.s32 s3, s9;
	s6 =	sadd.s32 @!p0 $0x88, s6;
	s7 =	simm.s32 @p2 $0x1082  }
0x22: {  	[simem:s7], [sflag:s8] =	dma.local @!p0 [hbm:s6], $0xF7A  }
0x23: {  	s9 =	sor.u32 $0xD0000000, s2;
	s6 =	simm.s32 $0x108;
	_ =	swait.ge @!p0 [sflag:s8], $0x0  }
0x24: {  	s3 =	sadd.s32 $0x88, s3;
	s6 =	simm.s32 @!p1 $0x1082;
	[sflag:s4] =	ssyncset.s32 $0xFFFFF086  }
0x25: {  	[simem:s6], [sflag:s4] =	dma.local [hbm:s3], $0xF7A  }
0x26: {  	[smem:$0x3F9F] =	sst s1;
	(tag) =	ssettag s2;
	_ =	strace s9  }
0x27: {  	s1 =	sld [smem:$0x3FAF]  }
0x28: {  	s2 =	sld [smem:$0x3FB0]  }
0x29: {  	s4 =	sld [smem:$0x3FB2]  }
0x2a: {  	p0 =	seq.s32 s5, $0x0;
	s5 =	sld [smem:$0x3FB3]  }
0x2b: {  	s6 =	sld [smem:$0x3FB4]  }
0x2c: {  	s7 =	sld [smem:$0x3FB5]  }
0x2d: {  	s3 =	simm.s32 $0x108;
	s8 =	sld [smem:$0x3FB6]  }
0x2e: {  	s3 =	simm.s32 @!p0 $0x1082;
	s9 =	sld [smem:$0x3FB7]  }
0x2f: {  	lr =	sadd.s32 s0, s3;
	s0 =	sld [smem:$0x3FAE]  }
0x30: {  	s3 =	sld [smem:$0x3FB1]  }
0x31: {  	[smem:$0x3FBA] =	sst s10  }
0x32: {  	s10 =	sld [smem:$0x3FB8];
	_ =	sdelay $0x3  }
0x33: {  	p0 =	seq.s32 s10, $0x1;
	s10 =	sld [smem:$0x3FBA];
	_ =	sdelay $0x3  }
0x34: {  	[smem:$0x3FBA] =	sst s10  }
0x35: {  	s10 =	sld [smem:$0x3FB9];
	_ =	sdelay $0x3  }
0x36: {  	p1 =	seq.s32 s10, $0x1;
	s10 =	sld [smem:$0x3FBA];
	_ =	sdelay $0x3  }
0x37: {  	[smem:$0x3FBA] =	sst s10  }
0x38: {  	s10 =	sld [smem:$0x3FBB]  }
0x39: {  	_ = 	snop;
	(pc) =	sbr.ind lr, $3  }
0x3a: {  	_ = 	snop  }
0x3b: {  	_ = 	snop  }
0x3c: {  	p2 =	seq.s32 s10, $0x1;
	s10 =	sld [smem:$0x3FBA]  }
0x3d: {  	_ =	shalt  }
0x3e: {  	_ =	shalt  }
0x3f: {  	_ =	shalt  }
0x40: {  	_ =	shalt  }
0x41: {  	_ =	shalt  }
0x42: {  	_ =	shalt  }
0x43: {  	_ =	shalt  }
0x44: {  	_ =	shalt  }
0x45: {  	_ =	shalt  }
0x46: {  	_ =	shalt  }
0x47: {  	_ =	shalt  }
0x48: {  	_ =	shalt  }
0x49: {  	_ =	shalt  }
0x4a: {  	_ =	shalt  }
0x4b: {  	_ =	shalt  }
0x4c: {  	_ =	shalt  }
0x4d: {  	_ =	shalt  }
0x4e: {  	_ =	shalt  }
0x4f: {  	_ =	shalt  }
0x50: {  	_ =	shalt  }
0x51: {  	_ =	shalt  }
0x52: {  	_ =	shalt  }
0x53: {  	_ =	shalt  }
0x54: {  	_ =	shalt  }
0x55: {  	_ =	shalt  }
0x56: {  	_ =	shalt  }
0x57: {  	_ =	shalt  }
0x58: {  	_ =	shalt  }
0x59: {  	_ =	shalt  }
0x5a: {  	_ =	shalt  }
0x5b: {  	_ =	shalt  }
0x5c: {  	_ =	shalt  }
0x5d: {  	_ =	shalt  }
0x5e: {  	_ =	shalt  }
0x5f: {  	_ =	shalt  }
0x60: {  	_ =	shalt  }
0x61: {  	_ =	shalt  }
0x62: {  	_ =	shalt  }
0x63: {  	_ =	shalt  }
0x64: {  	_ =	shalt  }
0x65: {  	_ =	shalt  }
0x66: {  	_ =	shalt  }
0x67: {  	_ =	shalt  }
0x68: {  	_ =	shalt  }
0x69: {  	_ =	shalt  }
0x6a: {  	_ =	shalt  }
0x6b: {  	_ =	shalt  }
0x6c: {  	_ =	shalt  }
0x6d: {  	_ =	shalt  }
0x6e: {  	_ =	shalt  }
0x6f: {  	_ =	shalt  }
0x70: {  	_ =	shalt  }
0x71: {  	_ =	shalt  }
0x72: {  	_ =	shalt  }
0x73: {  	_ =	shalt  }
0x74: {  	_ =	shalt  }
0x75: {  	_ =	shalt  }
0x76: {  	_ =	shalt  }
0x77: {  	_ =	shalt  }
0x78: {  	_ =	shalt  }
0x79: {  	_ =	shalt  }
0x7a: {  	_ =	shalt  }
0x7b: {  	_ =	shalt  }
0x7c: {  	_ =	shalt  }
0x7d: {  	_ =	shalt  }
0x7e: {  	_ =	shalt  }
0x7f: {  	_ =	shalt  }
0x80: {  	_ =	shalt  }
0x81: {  	_ =	shalt  }
0x82: {  	_ =	shalt  }
0x83: {  	_ =	shalt  }
0x84: {  	_ =	shalt  }
0x85: {  	_ =	shalt  }
0x86: {  	_ =	shalt  }
0x87: {  	_ =	shalt  }
.Lfunc_end0:
.L_simem_size_0:
called_computation_lowered:
.L_overlay_start_0:
0x88: {  	s2 =	sld [smem:$0x3FD9]  }
0x89: {  	s3 =	sld [smem:$0x3FFE];
	_ =	sdelay $0x1  }
0x8a: {  	s1 =	srdreg.scid  }
0x8b: {  	s0 =	sand.u32 $0x1, s1  }
0x8c: {  	s17 =	sshll.u32 s0, $0xA;
	s2 =	sadd.s32 s3, s2  }
0x8d: {  	s2 =	sadd.s32 s2, s17  }
0x8e: {  	[smem:$0x3FC6] =	sst s2  }
0x8f: {  	_ = 	snop  }
0x90: {  	s2 =	sld [smem:$0x3FD0];
	(tm) =	ssettm $0x1  }
0x91: {  	s18 =	sld [smem:$0x3FFB];
	_ =	sdelay $0x3  }
0x92: {  	_ =	strace s18  }
0x93: {  	s3 =	sld [smem:$0x3FFC];
	_ =	sdelay $0x3  }
0x94: {  	_ =	strace s3  }
0x95: {  	s3 =	sld [smem:$0x3FFD];
	_ =	sdelay $0x3  }
0x96: {  	_ =	strace s3  }
0x97: {  	_ =	strace $0x8FFFFFFF  }
0x98: {  	s19 =	sld [smem:$0x3FDB];
	_ =	sdelay $0x1  }
0x99: {  	s4 =	simm.s32 $_scs_section_size  }
0x9a: {  	s5 =	simm.s32 $_size__tile_overlayer_lowered;
	s6 =	simm.s32 $_tile_overlayer_lowered  }
0x9b: {  	s22 =	simm.s32 $0x1BFF;
	s21 =	sshll.u32 s6, $0x1;
	s3 =	sadd.s32 s4, s19  }
0x9c: {  	s7 =	simm.s32 $0x0;
	s20 =	sshll.u32 s5, $0x1;
	s5 =	sadd.s32 s21, s3  }
0x9d: {  	[timem:s7], [sflag:s22] =	dma.local [hbm:s5], s20  }
0x9e: {  	_ =	swait.ge [sflag:s22], s20  }
0x9f: {  	s4 =	ssub.s32 $0x0, s20;
	[sflag:s22] =	ssyncset.done $0x0  }
0xa0: {  	[sflag:s22] =	ssyncadd.s32 s4;
	_ =	sdelay $0x1  }
0xa1: {  	s23 =	simm.s32 $0x1B8B  }
0xa2: {  	_ =	swait.ge [sflag:s23], $0x1  }
0xa3: {  	[sflag:s23] =	ssyncset.done $0x0  }
0xa4: {  	s25 =	simm.s32 $0x1B8E;
	s24 =	sld [smem:$0x3FFE];
	[sflag:s23] =	ssyncadd.s32 $0xFFFFFFFF  }
0xa5: {  	s26 =	simm.s32 $execute0_lowered;
	[smem:$0x3FD2] =	sst s25  }
0xa6: {  	s5 =	sshll.u32 s26, $0x1;
	_ =	strace $0x80000046;
	[dreg:$0x1] =	wrdreg $0xFFFFFFFF  }
0xa7: {  	s28 =	simm.s32 $_size_execute0_lowered;
	s3 =	sadd.s32 s3, s5;
	[dreg:$0x0] =	wrdreg $0x0  }
0xa8: {  	s5 =	sshll.u32 s28, $0x1;
	[dreg:$0x2] =	wrdreg s3  }
0xa9: {  	[dreg:$0x3] =	wrdreg s5  }
0xaa: {  	[dreg:$0x4] =	wrdreg $0xC0  }
0xab: {  	_ =	task [dreg:s7], $0x5FFFF  }
0xac: {  	[dreg:$0x1] =	wrdreg $0xFFFFFFFF  }
0xad: {  	[dreg:$0x0] =	wrdreg $0x60  }
0xae: {  	[dreg:$0x2] =	wrdreg s2  }
0xaf: {  	[dreg:$0x3] =	wrdreg s24  }
0xb0: {  	[dreg:$0x4] =	wrdreg $0x9  }
0xb1: {  	_ =	task.clear_ibuf [dreg:s7], $0x5FFFF;
	_ =	strace $0x90000046  }
0xb2: {  	s29 =	simm.s32 $0x9;
	_ =	strace $0x80000048  }
0xb3: {  	_ =	swait.ge [sflag:s29], $0x1  }
0xb4: {  	[sflag:s29] =	ssyncadd.s32 $0xFFFFFFFF  }
0xb5: {  	_ =	strace $0x90000048  }
0xb6: {  	_ =	sfence  }
0xb7: {  	s30 =	sld [smem:$0x0];
	_ =	sdelay $0x2  }
0xb8: {  	s31 =	sshll.u32 s1, $0xD;
	s1 =	sshrl.u32 s1, $0x2  }
0xb9: {  	s3 =	sand.u32 $0x4000, s31;
	s1 =	sadd.s32 s1, s30  }
0xba: {  	s0 =	sor.u32 s3, s0;
	s1 =	sshll.u32 s1, $0x11  }
0xbb: {  	s0 =	sor.u32 s1, s0  }
0xbc: {  	s0 =	sadd.s32 $0x8F2B, s0  }
0xbd: {  	[sflag:s0] =	ssyncadd.remote.s32 $0x1  }
0xbe: {  	_ =	sfence.sel $0xFFFF  }
0xbf: {  	[dreg:$0x0] =	wrdreg $0xFFFFFFFF;
	(pc) =	sbr.abs _section_cstart, $3  }
0xc0: {  	[dreg:$0x1] =	wrdreg $0xFFFFFFFF  }
0xc1: {  	_ =	task.clear_ibuf [dreg:s7], $0x2FFFF;
	_ =	strace $0x9FFFFFFF  }
0xc2: {  	(tm) =	ssettm $0x7FFFFFFF  }
0xc3: {  	_ =	shalt  }
tec
execute0_lowered:
.L_overlay_start_1:
0x0: {  	(tag) =	ssettag $0x1  }
0x1: {  	s6 =	rddreg [dreg:$0x0]  }
0x2: {  	s5 =	rddreg [dreg:$0x1]  }
0x3: {  	s0 =	rddreg [dreg:$0x2]  }
0x4: {  	s2 =	simm.s32 $0x0;
	s3 =	srdreg.scid;
	s1 =	stileid.u32  }
0x5: {  	s10 =	simm.s32 $0x5;
	s11 =	simm.s32 $0x100;
	s12 =	simm.s32 $0x6400  }
0x6: {  	v0 =	vlaneseq.u32;
	s13 =	simm.s32 $0xA400;
	s14 =	simm.s32 $0x1;
	s15 =	simm.s32 $0xE400  }
0x7: {  	s16 =	simm.s32 $0x2;
	s17 =	simm.s32 $0x4;
	s18 =	simm.s32 $0x12400;
	v0 =	vmul.u32 $0x40, v0  }
0x8: {  	s19 =	simm.s32 $0x3;
	s20 =	simm.s32 $0x0;
	[smem:$0x7FF] =	sst s2  }
0x9: {  	s3 =	sand.u32 $0x1, s3;
	s4 =	sshll.u32 s1, $0xA;
	_ =	strace $0x80000047;
	v1 =	vor.u32 $0x400, v0;
	v2 =	vor.u32 $0x800, v0;
	v3 =	vor.u32 $0xC00, v0  }
0xa: {  	s7 =	ssub.s32 $0x2, s3;
	s8 =	sshll.u32 s3, $0x9;
	s3 =	sadd.s32 $0xF42A00, s5;
	v4 =	vor.u32 $0x1000, v0;
	v5 =	vor.u32 $0x1400, v0;
	v6 =	vor.u32 $0x1800, v0  }
0xb: {  	s5 =	sadd.s32 $0x600, s5;
	s9 =	sshrl.u32 s7, $0x1;
	s4 =	sor.u32 s8, s4;
	v7 =	vor.u32 $0x1C00, v0;
	v8 =	vor.u32 $0x2000, v0;
	v9 =	vor.u32 $0x2400, v0  }
0xc: {  	v10 =	vor.u32 $0x2800, v0;
	v11 =	vor.u32 $0x2C00, v0;
	v12 =	vor.u32 $0x3000, v0;
	s7 =	ssub.s32 s7, s9;
	s8 =	sshrl.u32 s4, $0x3;
	s9 =	simm.s32 $0x4000  }
0xd: {  	v13 =	vor.u32 $0x3400, v0;
	v14 =	vor.u32 $0x3800, v0;
	v15 =	vor.u32 $0x3C00, v0;
	s6 =	sadd.s32 s6, s8;
	s7 =	smax.u32 s7, $0x1;
	s8 =	simm.s32 $0x200  }
.LBB2_1:
0xe: {  	[tilespmem:s2], [sflag:$0x5] =	stream.strided.gather [hbm4b:s6+s8], $0x6400, s9, s8, $0x38;
	[tilespmem:$0x16400] =	vst v63  }
0xf: {  	_ =	swait.ge [sflag:s10], $0x6400  }
0x10: {  	[sflag:s10] =	ssyncset.done $0x0  }
0x11: {  	s21 =	simm.s32 $0x0;
	[sflag:s10] =	ssyncadd.s32 $0xFFFF9C00  }
0x12: {  	[tilespmem:s12], [sflag:$0x1] =	stream.indirect.gather [hbm4b:s3+s11], $0x40, s2, s11, $0xb8;
	[tilespmem:$0x16400] =	vst v63  }
.LBB2_2:
0x13: {  	s22 =	sshll.u32 s21, $0x9;
	s24 =	simm.s32 $0x0  }
0x14: {  	s23 =	sand.u32 $0x3FFFFE00, s22;
	v16 =	vmov s24  }
0x15: {  	s22 =	sor.u32 $0x100, s23;
	v16 =	vand.u32 $0x3F, v16  }
0x16: {  	[tilespmem:s13], [sflag:$0x2] =	stream.indirect.gather [hbm4b:s3+s11], $0x40, s22, s11, $0xb8;
	v16 =	vbroadcast v16, $0x0;
	[tilespmem:$0x16400] =	vst v63  }
0x17: {  	_ =	swait.ge [sflag:s14], $0x4000  }
0x18: {  	p0 =	seq.s32 s21, $0x0;
	[sflag:s14] =	ssyncset.done $0x0;
	v17 =	vor.u32 v0, v16  }
0x19: {  	s22 =	simm.s32 @!p0 $0x3;
	[sflag:s14] =	ssyncadd.s32 $0xFFFFC000  }
0x1a: {  	_ =	swait.ge @!p0 [sflag:s22], $0x4000  }
0x1b: {  	[sflag:s22] =	ssyncset.done @!p0 $0x0  }
0x1c: {  	[sflag:s22] =	ssyncadd.s32 @!p0 $0xFFFFC000  }
0x1d: {  	v17 =	vld.idx.msk [tilespmem:v17+s12+$0x0], $0xffff  }
0x1e: {  	v18 =	vor.u32 v1, v16;
	_ =	sdelay $0x2  }
0x1f: {  	s22 =	simm.s32 $0xE480  }
0x20: {  	[tilespmem:s22+$0xFFFFFF80] =	vst v17  }
0x21: {  	v17 =	vld.idx.msk [tilespmem:v18+s12+$0x0], $0xffff  }
0x22: {  	v18 =	vor.u32 v2, v16;
	_ =	sdelay $0x3  }
0x23: {  	[tilespmem:s22+$0xFFFFFF90] =	vst v17  }
0x24: {  	v17 =	vld.idx.msk [tilespmem:v18+s12+$0x0], $0xffff  }
0x25: {  	v18 =	vor.u32 v3, v16;
	_ =	sdelay $0x3  }
0x26: {  	[tilespmem:s22+$0xFFFFFFA0] =	vst v17  }
0x27: {  	v17 =	vld.idx.msk [tilespmem:v18+s12+$0x0], $0xffff  }
0x28: {  	v18 =	vor.u32 v4, v16;
	_ =	sdelay $0x3  }
0x29: {  	[tilespmem:s22+$0xFFFFFFB0] =	vst v17  }
0x2a: {  	v17 =	vld.idx.msk [tilespmem:v18+s12+$0x0], $0xffff  }
0x2b: {  	v18 =	vor.u32 v5, v16;
	_ =	sdelay $0x3  }
0x2c: {  	[tilespmem:s22+$0xFFFFFFC0] =	vst v17  }
0x2d: {  	v17 =	vld.idx.msk [tilespmem:v18+s12+$0x0], $0xffff  }
0x2e: {  	v18 =	vor.u32 v6, v16;
	_ =	sdelay $0x3  }
0x2f: {  	[tilespmem:s22+$0xFFFFFFD0] =	vst v17  }
0x30: {  	v17 =	vld.idx.msk [tilespmem:v18+s12+$0x0], $0xffff  }
0x31: {  	v18 =	vor.u32 v7, v16;
	_ =	sdelay $0x3  }
0x32: {  	[tilespmem:s22+$0xFFFFFFE0] =	vst v17  }
0x33: {  	v17 =	vld.idx.msk [tilespmem:v18+s12+$0x0], $0xffff  }
0x34: {  	v18 =	vor.u32 v8, v16;
	_ =	sdelay $0x3  }
0x35: {  	[tilespmem:s22+$0xFFFFFFF0] =	vst v17  }
0x36: {  	v17 =	vld.idx.msk [tilespmem:v18+s12+$0x0], $0xffff  }
0x37: {  	v18 =	vor.u32 v9, v16;
	_ =	sdelay $0x3  }
0x38: {  	[tilespmem:s22+$0x0] =	vst v17  }
0x39: {  	v17 =	vld.idx.msk [tilespmem:v18+s12+$0x0], $0xffff  }
0x3a: {  	v18 =	vor.u32 v10, v16;
	_ =	sdelay $0x3  }
0x3b: {  	[tilespmem:s22+$0x10] =	vst v17  }
0x3c: {  	v17 =	vld.idx.msk [tilespmem:v18+s12+$0x0], $0xffff  }
0x3d: {  	v18 =	vor.u32 v11, v16;
	_ =	sdelay $0x3  }
0x3e: {  	[tilespmem:s22+$0x20] =	vst v17  }
0x3f: {  	v17 =	vld.idx.msk [tilespmem:v18+s12+$0x0], $0xffff  }
0x40: {  	v18 =	vor.u32 v12, v16;
	_ =	sdelay $0x3  }
0x41: {  	[tilespmem:s22+$0x30] =	vst v17  }
0x42: {  	v17 =	vld.idx.msk [tilespmem:v18+s12+$0x0], $0xffff  }
0x43: {  	v18 =	vor.u32 v13, v16;
	_ =	sdelay $0x3  }
0x44: {  	[tilespmem:s22+$0x40] =	vst v17  }
0x45: {  	v17 =	vld.idx.msk [tilespmem:v18+s12+$0x0], $0xffff  }
0x46: {  	v18 =	vor.u32 v14, v16;
	_ =	sdelay $0x3  }
0x47: {  	[tilespmem:s22+$0x50] =	vst v17  }
0x48: {  	v18 =	vld.idx.msk [tilespmem:v18+s12+$0x0], $0xffff  }
0x49: {  	v17 =	vor.u32 v15, v16;
	_ =	sdelay $0x1  }
0x4a: {  	s31 =	simm.s32 $0x1  }
0x4b: {  	s24 =	simm.s32 $0x2;
	v16 =	vmov s31  }
.LBB2_3:
0x4c: {  	p1 =	sne.s32 s24, $0x3F;
	v16 =	vand.u32 $0x3F, v16;
	[tilespmem:s22+$0x60] =	vst v18  }
0x4d: {  	v16 =	vbroadcast v16, $0x0;
	v17 =	vld.idx.msk [tilespmem:v17+s12+$0x0], $0xffff;
	_ =	sdelay $0x1  }
0x4e: {  	v18 =	vor.u32 v0, v16;
	_ =	sdelay $0x3  }
0x4f: {  	[tilespmem:s22+$0x70] =	vst v17  }
0x50: {  	v17 =	vld.idx.msk [tilespmem:v18+s12+$0x0], $0xffff;
	_ =	sdelay $0x1  }
0x51: {  	v18 =	vor.u32 v1, v16;
	_ =	sdelay $0x2  }
0x52: {  	s22 =	sadd.s32 $0x100, s22  }
0x53: {  	[tilespmem:s22+$0xFFFFFF80] =	vst v17  }
0x54: {  	v17 =	vld.idx.msk [tilespmem:v18+s12+$0x0], $0xffff;
	_ =	sdelay $0x1  }
0x55: {  	v18 =	vor.u32 v2, v16;
	_ =	sdelay $0x3  }
0x56: {  	[tilespmem:s22+$0xFFFFFF90] =	vst v17  }
0x57: {  	v17 =	vld.idx.msk [tilespmem:v18+s12+$0x0], $0xffff;
	_ =	sdelay $0x1  }
0x58: {  	v18 =	vor.u32 v3, v16;
	_ =	sdelay $0x3  }
0x59: {  	[tilespmem:s22+$0xFFFFFFA0] =	vst v17  }
0x5a: {  	v17 =	vld.idx.msk [tilespmem:v18+s12+$0x0], $0xffff;
	_ =	sdelay $0x1  }
0x5b: {  	v18 =	vor.u32 v4, v16;
	_ =	sdelay $0x3  }
0x5c: {  	[tilespmem:s22+$0xFFFFFFB0] =	vst v17  }
0x5d: {  	v17 =	vld.idx.msk [tilespmem:v18+s12+$0x0], $0xffff;
	_ =	sdelay $0x1  }
0x5e: {  	v18 =	vor.u32 v5, v16;
	_ =	sdelay $0x3  }
0x5f: {  	[tilespmem:s22+$0xFFFFFFC0] =	vst v17  }
0x60: {  	v17 =	vld.idx.msk [tilespmem:v18+s12+$0x0], $0xffff;
	_ =	sdelay $0x1  }
0x61: {  	v18 =	vor.u32 v6, v16;
	_ =	sdelay $0x3  }
0x62: {  	[tilespmem:s22+$0xFFFFFFD0] =	vst v17  }
0x63: {  	v17 =	vld.idx.msk [tilespmem:v18+s12+$0x0], $0xffff;
	_ =	sdelay $0x1  }
0x64: {  	v18 =	vor.u32 v7, v16;
	_ =	sdelay $0x3  }
0x65: {  	[tilespmem:s22+$0xFFFFFFE0] =	vst v17  }
0x66: {  	v17 =	vld.idx.msk [tilespmem:v18+s12+$0x0], $0xffff;
	_ =	sdelay $0x1  }
0x67: {  	v18 =	vor.u32 v8, v16;
	_ =	sdelay $0x3  }
0x68: {  	[tilespmem:s22+$0xFFFFFFF0] =	vst v17  }
0x69: {  	v17 =	vld.idx.msk [tilespmem:v18+s12+$0x0], $0xffff;
	_ =	sdelay $0x1  }
0x6a: {  	v18 =	vor.u32 v9, v16;
	_ =	sdelay $0x3  }
0x6b: {  	[tilespmem:s22+$0x0] =	vst v17  }
0x6c: {  	v17 =	vld.idx.msk [tilespmem:v18+s12+$0x0], $0xffff;
	_ =	sdelay $0x1  }
0x6d: {  	v18 =	vor.u32 v10, v16;
	_ =	sdelay $0x3  }
0x6e: {  	[tilespmem:s22+$0x10] =	vst v17  }
0x6f: {  	v17 =	vld.idx.msk [tilespmem:v18+s12+$0x0], $0xffff;
	_ =	sdelay $0x1  }
0x70: {  	v18 =	vor.u32 v11, v16;
	_ =	sdelay $0x3  }
0x71: {  	[tilespmem:s22+$0x20] =	vst v17  }
0x72: {  	v17 =	vld.idx.msk [tilespmem:v18+s12+$0x0], $0xffff;
	_ =	sdelay $0x1  }
0x73: {  	v18 =	vor.u32 v12, v16;
	_ =	sdelay $0x3  }
0x74: {  	[tilespmem:s22+$0x30] =	vst v17  }
0x75: {  	v17 =	vld.idx.msk [tilespmem:v18+s12+$0x0], $0xffff;
	_ =	sdelay $0x1  }
0x76: {  	v18 =	vor.u32 v13, v16;
	_ =	sdelay $0x3  }
0x77: {  	[tilespmem:s22+$0x40] =	vst v17  }
0x78: {  	v17 =	vld.idx.msk [tilespmem:v18+s12+$0x0], $0xffff;
	_ =	sdelay $0x1  }
0x79: {  	v18 =	vor.u32 v14, v16;
	_ =	sdelay $0x3  }
0x7a: {  	[tilespmem:s22+$0x50] =	vst v17  }
0x7b: {  	v18 =	vld.idx.msk [tilespmem:v18+s12+$0x0], $0xffff  }
.Ltmp0:
0x7c: {  	(pc) =	sbr.rel @p1 .LBB2_3-.Ltmp0, $2  }
0x7d: {  	v17 =	vor.u32 v15, v16;
	_ =	sdelay $0x2  }
0x7e: {  	v16 =	vmov s24;
	s24 =	sadd.s32 $0x1, s24  }
0x7f: {  	_ =	sdelay $0x1  }
0x80: {  	v16 =	vand.u32 $0x3F, v16  }
0x81: {  	[tilespmem:s22+$0x60] =	vst v18;
	v16 =	vbroadcast v16, $0x0  }
0x82: {  	v17 =	vld.idx.msk [tilespmem:v17+s12+$0x0], $0xffff  }
0x83: {  	v49 =	vor.u32 v0, v16;
	_ =	sdelay $0x3  }
0x84: {  	[tilespmem:s22+$0x70] =	vst v17  }
0x85: {  	v17 =	vld.idx.msk [tilespmem:v49+s12+$0x0], $0xffff  }
0x86: {  	v50 =	vor.u32 v1, v16;
	_ =	sdelay $0x2  }
0x87: {  	s24 =	sadd.s32 $0x100, s22  }
0x88: {  	[tilespmem:s24+$0xFFFFFF80] =	vst v17  }
0x89: {  	v17 =	vld.idx.msk [tilespmem:v50+s12+$0x0], $0xffff  }
0x8a: {  	v51 =	vor.u32 v2, v16;
	_ =	sdelay $0x3  }
0x8b: {  	[tilespmem:s24+$0xFFFFFF90] =	vst v17  }
0x8c: {  	v17 =	vld.idx.msk [tilespmem:v51+s12+$0x0], $0xffff  }
0x8d: {  	v52 =	vor.u32 v3, v16;
	_ =	sdelay $0x3  }
0x8e: {  	[tilespmem:s24+$0xFFFFFFA0] =	vst v17  }
0x8f: {  	v17 =	vld.idx.msk [tilespmem:v52+s12+$0x0], $0xffff  }
0x90: {  	v53 =	vor.u32 v4, v16;
	_ =	sdelay $0x3  }
0x91: {  	[tilespmem:s24+$0xFFFFFFB0] =	vst v17  }
0x92: {  	v17 =	vld.idx.msk [tilespmem:v53+s12+$0x0], $0xffff  }
0x93: {  	v54 =	vor.u32 v5, v16;
	_ =	sdelay $0x3  }
0x94: {  	[tilespmem:s24+$0xFFFFFFC0] =	vst v17  }
0x95: {  	v17 =	vld.idx.msk [tilespmem:v54+s12+$0x0], $0xffff  }
0x96: {  	v55 =	vor.u32 v6, v16;
	_ =	sdelay $0x3  }
0x97: {  	[tilespmem:s24+$0xFFFFFFD0] =	vst v17  }
0x98: {  	v17 =	vld.idx.msk [tilespmem:v55+s12+$0x0], $0xffff  }
0x99: {  	v56 =	vor.u32 v7, v16;
	_ =	sdelay $0x3  }
0x9a: {  	[tilespmem:s24+$0xFFFFFFE0] =	vst v17  }
0x9b: {  	v17 =	vld.idx.msk [tilespmem:v56+s12+$0x0], $0xffff  }
0x9c: {  	v57 =	vor.u32 v8, v16;
	_ =	sdelay $0x3  }
0x9d: {  	[tilespmem:s24+$0xFFFFFFF0] =	vst v17  }
0x9e: {  	v17 =	vld.idx.msk [tilespmem:v57+s12+$0x0], $0xffff  }
0x9f: {  	v58 =	vor.u32 v9, v16;
	_ =	sdelay $0x3  }
0xa0: {  	[tilespmem:s24+$0x0] =	vst v17  }
0xa1: {  	v17 =	vld.idx.msk [tilespmem:v58+s12+$0x0], $0xffff  }
0xa2: {  	v59 =	vor.u32 v10, v16;
	_ =	sdelay $0x3  }
0xa3: {  	[tilespmem:s24+$0x10] =	vst v17  }
0xa4: {  	v17 =	vld.idx.msk [tilespmem:v59+s12+$0x0], $0xffff  }
0xa5: {  	v60 =	vor.u32 v11, v16;
	_ =	sdelay $0x3  }
0xa6: {  	[tilespmem:s24+$0x20] =	vst v17  }
0xa7: {  	v17 =	vld.idx.msk [tilespmem:v60+s12+$0x0], $0xffff  }
0xa8: {  	v61 =	vor.u32 v12, v16;
	_ =	sdelay $0x3  }
0xa9: {  	[tilespmem:s24+$0x30] =	vst v17  }
0xaa: {  	v17 =	vld.idx.msk [tilespmem:v61+s12+$0x0], $0xffff  }
0xab: {  	v62 =	vor.u32 v13, v16;
	_ =	sdelay $0x3  }
0xac: {  	[tilespmem:s24+$0x40] =	vst v17  }
0xad: {  	v17 =	vld.idx.msk [tilespmem:v62+s12+$0x0], $0xffff  }
0xae: {  	v63 =	vor.u32 v14, v16;
	_ =	sdelay $0x3  }
0xaf: {  	[tilespmem:s24+$0x50] =	vst v17  }
0xb0: {  	v17 =	vld.idx.msk [tilespmem:v63+s12+$0x0], $0xffff  }
0xb1: {  	v16 =	vor.u32 v15, v16;
	_ =	sdelay $0x3  }
0xb2: {  	[tilespmem:s24+$0x60] =	vst v17  }
0xb3: {  	v16 =	vld.idx.msk [tilespmem:v16+s12+$0x0], $0xffff  }
0xb4: {  	p1 =	sne.s32 s21, $0x31  }
.Ltmp1:
0xb5: {  	s30 =	sshll.u32 s21, $0x14;
	(pc) =	sbr.rel @p1 .LBB2_6-.Ltmp1, $4  }
0xb6: {  	s22 =	sor.u32 s4, s30  }
0xb7: {  	s22 =	sshrl.u32 s22, $0x3  }
0xb8: {  	s31 =	sadd.s32 s5, s22;
	[tilespmem:s24+$0x70] =	vst v16  }
0xb9: {  	[hbm4b:s31+s11] =	stream.strided.scatter [tilespmem:s15], [sflag:$0x3], $0x4000, s9, s11, $0x38;
	[tilespmem:$0x16400] =	vst v63  }
.Ltmp2:
0xba: {  	(pc) =	sbr.rel .LBB2_7-.Ltmp2, $4  }
0xbb: {  	_ = 	snop  }
0xbc: {  	_ =	swait.ge [sflag:s16], $0x4000  }
0xbd: {  	[sflag:s16] =	ssyncset.done $0x0  }
0xbe: {  	[sflag:s16] =	ssyncadd.s32 $0xFFFFC000  }
.LBB2_6:
.Ltmp3:
0xbf: {  	s23 =	sadd.s32 $0x200, s23;
	(pc) =	sbr.rel @p0 .LBB2_8-.Ltmp3, $4  }
0xc0: {  	[tilespmem:s12], [sflag:$0x1] =	stream.indirect.gather [hbm4b:s3+s11], $0x40, s23, s11, $0xb8;
	[tilespmem:$0x16400] =	vst v63  }
0xc1: {  	_ =	swait.ge [sflag:s16], $0x4000  }
0xc2: {  	[sflag:s16] =	ssyncset.done $0x0  }
0xc3: {  	[sflag:s16] =	ssyncadd.s32 $0xFFFFC000  }
.LBB2_7:
0xc4: {  	_ =	swait.ge [sflag:s17], $0x4000  }
0xc5: {  	[sflag:s17] =	ssyncset.done $0x0  }
0xc6: {  	[sflag:s17] =	ssyncadd.s32 $0xFFFFC000  }
.LBB2_8:
0xc7: {  	s23 =	simm.s32 $0x0  }
0xc8: {  	v16 =	vmov s23  }
0xc9: {  	v16 =	vand.u32 $0x3F, v16  }
0xca: {  	v16 =	vbroadcast v16, $0x0;
	_ =	sdelay $0x1  }
0xcb: {  	v17 =	vor.u32 v0, v16;
	_ =	sdelay $0x4  }
0xcc: {  	v17 =	vld.idx.msk [tilespmem:v17+s13+$0x0], $0xffff  }
0xcd: {  	v18 =	vor.u32 v1, v16;
	_ =	sdelay $0x2  }
0xce: {  	s23 =	simm.s32 $0x12480  }
0xcf: {  	[tilespmem:s23+$0xFFFFFF80] =	vst v17  }
0xd0: {  	v17 =	vld.idx.msk [tilespmem:v18+s13+$0x0], $0xffff  }
0xd1: {  	v18 =	vor.u32 v2, v16;
	_ =	sdelay $0x3  }
0xd2: {  	[tilespmem:s23+$0xFFFFFF90] =	vst v17  }
0xd3: {  	v17 =	vld.idx.msk [tilespmem:v18+s13+$0x0], $0xffff  }
0xd4: {  	v18 =	vor.u32 v3, v16;
	_ =	sdelay $0x3  }
0xd5: {  	[tilespmem:s23+$0xFFFFFFA0] =	vst v17  }
0xd6: {  	v17 =	vld.idx.msk [tilespmem:v18+s13+$0x0], $0xffff  }
0xd7: {  	v18 =	vor.u32 v4, v16;
	_ =	sdelay $0x3  }
0xd8: {  	[tilespmem:s23+$0xFFFFFFB0] =	vst v17  }
0xd9: {  	v17 =	vld.idx.msk [tilespmem:v18+s13+$0x0], $0xffff  }
0xda: {  	v18 =	vor.u32 v5, v16;
	_ =	sdelay $0x3  }
0xdb: {  	[tilespmem:s23+$0xFFFFFFC0] =	vst v17  }
0xdc: {  	v17 =	vld.idx.msk [tilespmem:v18+s13+$0x0], $0xffff  }
0xdd: {  	v18 =	vor.u32 v6, v16;
	_ =	sdelay $0x3  }
0xde: {  	[tilespmem:s23+$0xFFFFFFD0] =	vst v17  }
0xdf: {  	v17 =	vld.idx.msk [tilespmem:v18+s13+$0x0], $0xffff  }
0xe0: {  	v18 =	vor.u32 v7, v16;
	_ =	sdelay $0x3  }
0xe1: {  	[tilespmem:s23+$0xFFFFFFE0] =	vst v17  }
0xe2: {  	v17 =	vld.idx.msk [tilespmem:v18+s13+$0x0], $0xffff  }
0xe3: {  	v18 =	vor.u32 v8, v16;
	_ =	sdelay $0x3  }
0xe4: {  	[tilespmem:s23+$0xFFFFFFF0] =	vst v17  }
0xe5: {  	v17 =	vld.idx.msk [tilespmem:v18+s13+$0x0], $0xffff  }
0xe6: {  	v18 =	vor.u32 v9, v16;
	_ =	sdelay $0x3  }
0xe7: {  	[tilespmem:s23+$0x0] =	vst v17  }
0xe8: {  	v17 =	vld.idx.msk [tilespmem:v18+s13+$0x0], $0xffff  }
0xe9: {  	v18 =	vor.u32 v10, v16;
	_ =	sdelay $0x3  }
0xea: {  	[tilespmem:s23+$0x10] =	vst v17  }
0xeb: {  	v17 =	vld.idx.msk [tilespmem:v18+s13+$0x0], $0xffff  }
0xec: {  	v18 =	vor.u32 v11, v16;
	_ =	sdelay $0x3  }
0xed: {  	[tilespmem:s23+$0x20] =	vst v17  }
0xee: {  	v17 =	vld.idx.msk [tilespmem:v18+s13+$0x0], $0xffff  }
0xef: {  	v18 =	vor.u32 v12, v16;
	_ =	sdelay $0x3  }
0xf0: {  	[tilespmem:s23+$0x30] =	vst v17  }
0xf1: {  	v17 =	vld.idx.msk [tilespmem:v18+s13+$0x0], $0xffff  }
0xf2: {  	v18 =	vor.u32 v13, v16;
	_ =	sdelay $0x3  }
0xf3: {  	[tilespmem:s23+$0x40] =	vst v17  }
0xf4: {  	v17 =	vld.idx.msk [tilespmem:v18+s13+$0x0], $0xffff  }
0xf5: {  	v18 =	vor.u32 v14, v16;
	_ =	sdelay $0x3  }
0xf6: {  	[tilespmem:s23+$0x50] =	vst v17  }
0xf7: {  	v18 =	vld.idx.msk [tilespmem:v18+s13+$0x0], $0xffff  }
0xf8: {  	v17 =	vor.u32 v15, v16;
	_ =	sdelay $0x1  }
0xf9: {  	s24 =	simm.s32 $0x1  }
0xfa: {  	v16 =	vmov s24;
	s24 =	simm.s32 $0x2  }
.LBB2_9:
0xfb: {  	p0 =	sne.s32 s24, $0x3F;
	v16 =	vand.u32 $0x3F, v16;
	[tilespmem:s23+$0x60] =	vst v18  }
0xfc: {  	v16 =	vbroadcast v16, $0x0;
	v17 =	vld.idx.msk [tilespmem:v17+s13+$0x0], $0xffff;
	_ =	sdelay $0x1  }
0xfd: {  	v18 =	vor.u32 v0, v16;
	_ =	sdelay $0x3  }
0xfe: {  	[tilespmem:s23+$0x70] =	vst v17  }
0xff: {  	v17 =	vld.idx.msk [tilespmem:v18+s13+$0x0], $0xffff;
	_ =	sdelay $0x1  }
0x100: {  	v18 =	vor.u32 v1, v16;
	_ =	sdelay $0x2  }
0x101: {  	s23 =	sadd.s32 $0x100, s23  }
0x102: {  	[tilespmem:s23+$0xFFFFFF80] =	vst v17  }
0x103: {  	v17 =	vld.idx.msk [tilespmem:v18+s13+$0x0], $0xffff;
	_ =	sdelay $0x1  }
0x104: {  	v18 =	vor.u32 v2, v16;
	_ =	sdelay $0x3  }
0x105: {  	[tilespmem:s23+$0xFFFFFF90] =	vst v17  }
0x106: {  	v17 =	vld.idx.msk [tilespmem:v18+s13+$0x0], $0xffff;
	_ =	sdelay $0x1  }
0x107: {  	v18 =	vor.u32 v3, v16;
	_ =	sdelay $0x3  }
0x108: {  	[tilespmem:s23+$0xFFFFFFA0] =	vst v17  }
0x109: {  	v17 =	vld.idx.msk [tilespmem:v18+s13+$0x0], $0xffff;
	_ =	sdelay $0x1  }
0x10a: {  	v18 =	vor.u32 v4, v16;
	_ =	sdelay $0x3  }
0x10b: {  	[tilespmem:s23+$0xFFFFFFB0] =	vst v17  }
0x10c: {  	v17 =	vld.idx.msk [tilespmem:v18+s13+$0x0], $0xffff;
	_ =	sdelay $0x1  }
0x10d: {  	v18 =	vor.u32 v5, v16;
	_ =	sdelay $0x3  }
0x10e: {  	[tilespmem:s23+$0xFFFFFFC0] =	vst v17  }
0x10f: {  	v17 =	vld.idx.msk [tilespmem:v18+s13+$0x0], $0xffff;
	_ =	sdelay $0x1  }
0x110: {  	v18 =	vor.u32 v6, v16;
	_ =	sdelay $0x3  }
0x111: {  	[tilespmem:s23+$0xFFFFFFD0] =	vst v17  }
0x112: {  	v17 =	vld.idx.msk [tilespmem:v18+s13+$0x0], $0xffff;
	_ =	sdelay $0x1  }
0x113: {  	v18 =	vor.u32 v7, v16;
	_ =	sdelay $0x3  }
0x114: {  	[tilespmem:s23+$0xFFFFFFE0] =	vst v17  }
0x115: {  	v17 =	vld.idx.msk [tilespmem:v18+s13+$0x0], $0xffff;
	_ =	sdelay $0x1  }
0x116: {  	v18 =	vor.u32 v8, v16;
	_ =	sdelay $0x3  }
0x117: {  	[tilespmem:s23+$0xFFFFFFF0] =	vst v17  }
0x118: {  	v17 =	vld.idx.msk [tilespmem:v18+s13+$0x0], $0xffff;
	_ =	sdelay $0x1  }
0x119: {  	v18 =	vor.u32 v9, v16;
	_ =	sdelay $0x3  }
0x11a: {  	[tilespmem:s23+$0x0] =	vst v17  }
0x11b: {  	v17 =	vld.idx.msk [tilespmem:v18+s13+$0x0], $0xffff;
	_ =	sdelay $0x1  }
0x11c: {  	v18 =	vor.u32 v10, v16;
	_ =	sdelay $0x3  }
0x11d: {  	[tilespmem:s23+$0x10] =	vst v17  }
0x11e: {  	v17 =	vld.idx.msk [tilespmem:v18+s13+$0x0], $0xffff;
	_ =	sdelay $0x1  }
0x11f: {  	v18 =	vor.u32 v11, v16;
	_ =	sdelay $0x3  }
0x120: {  	[tilespmem:s23+$0x20] =	vst v17  }
0x121: {  	v17 =	vld.idx.msk [tilespmem:v18+s13+$0x0], $0xffff;
	_ =	sdelay $0x1  }
0x122: {  	v18 =	vor.u32 v12, v16;
	_ =	sdelay $0x3  }
0x123: {  	[tilespmem:s23+$0x30] =	vst v17  }
0x124: {  	v17 =	vld.idx.msk [tilespmem:v18+s13+$0x0], $0xffff;
	_ =	sdelay $0x1  }
0x125: {  	v18 =	vor.u32 v13, v16;
	_ =	sdelay $0x3  }
0x126: {  	[tilespmem:s23+$0x40] =	vst v17  }
0x127: {  	v17 =	vld.idx.msk [tilespmem:v18+s13+$0x0], $0xffff;
	_ =	sdelay $0x1  }
0x128: {  	v18 =	vor.u32 v14, v16;
	_ =	sdelay $0x3  }
0x129: {  	[tilespmem:s23+$0x50] =	vst v17  }
0x12a: {  	v18 =	vld.idx.msk [tilespmem:v18+s13+$0x0], $0xffff  }
.Ltmp4:
0x12b: {  	(pc) =	sbr.rel @p0 .LBB2_9-.Ltmp4, $2  }
0x12c: {  	v17 =	vor.u32 v15, v16;
	_ =	sdelay $0x2  }
0x12d: {  	v16 =	vmov s24;
	s24 =	sadd.s32 $0x1, s24  }
0x12e: {  	_ =	sdelay $0x1  }
0x12f: {  	v16 =	vand.u32 $0x3F, v16  }
0x130: {  	[tilespmem:s23+$0x60] =	vst v18;
	v16 =	vbroadcast v16, $0x0  }
0x131: {  	v17 =	vld.idx.msk [tilespmem:v17+s13+$0x0], $0xffff  }
0x132: {  	v49 =	vor.u32 v0, v16;
	_ =	sdelay $0x3  }
0x133: {  	[tilespmem:s23+$0x70] =	vst v17  }
0x134: {  	v17 =	vld.idx.msk [tilespmem:v49+s13+$0x0], $0xffff  }
0x135: {  	v50 =	vor.u32 v1, v16;
	_ =	sdelay $0x2  }
0x136: {  	s31 =	sadd.s32 $0x100, s23  }
0x137: {  	[tilespmem:s31+$0xFFFFFF80] =	vst v17  }
0x138: {  	v17 =	vld.idx.msk [tilespmem:v50+s13+$0x0], $0xffff  }
0x139: {  	v51 =	vor.u32 v2, v16;
	_ =	sdelay $0x3  }
0x13a: {  	[tilespmem:s31+$0xFFFFFF90] =	vst v17  }
0x13b: {  	v17 =	vld.idx.msk [tilespmem:v51+s13+$0x0], $0xffff  }
0x13c: {  	v52 =	vor.u32 v3, v16;
	_ =	sdelay $0x3  }
0x13d: {  	[tilespmem:s31+$0xFFFFFFA0] =	vst v17  }
0x13e: {  	v17 =	vld.idx.msk [tilespmem:v52+s13+$0x0], $0xffff  }
0x13f: {  	v53 =	vor.u32 v4, v16;
	_ =	sdelay $0x3  }
0x140: {  	[tilespmem:s31+$0xFFFFFFB0] =	vst v17  }
0x141: {  	v17 =	vld.idx.msk [tilespmem:v53+s13+$0x0], $0xffff  }
0x142: {  	v54 =	vor.u32 v5, v16;
	_ =	sdelay $0x3  }
0x143: {  	[tilespmem:s31+$0xFFFFFFC0] =	vst v17  }
0x144: {  	v17 =	vld.idx.msk [tilespmem:v54+s13+$0x0], $0xffff  }
0x145: {  	v55 =	vor.u32 v6, v16;
	_ =	sdelay $0x3  }
0x146: {  	[tilespmem:s31+$0xFFFFFFD0] =	vst v17  }
0x147: {  	v17 =	vld.idx.msk [tilespmem:v55+s13+$0x0], $0xffff  }
0x148: {  	v56 =	vor.u32 v7, v16;
	_ =	sdelay $0x3  }
0x149: {  	[tilespmem:s31+$0xFFFFFFE0] =	vst v17  }
0x14a: {  	v17 =	vld.idx.msk [tilespmem:v56+s13+$0x0], $0xffff  }
0x14b: {  	v57 =	vor.u32 v8, v16;
	_ =	sdelay $0x3  }
0x14c: {  	[tilespmem:s31+$0xFFFFFFF0] =	vst v17  }
0x14d: {  	v17 =	vld.idx.msk [tilespmem:v57+s13+$0x0], $0xffff  }
0x14e: {  	v58 =	vor.u32 v9, v16;
	_ =	sdelay $0x3  }
0x14f: {  	[tilespmem:s31+$0x0] =	vst v17  }
0x150: {  	v17 =	vld.idx.msk [tilespmem:v58+s13+$0x0], $0xffff  }
0x151: {  	v59 =	vor.u32 v10, v16;
	_ =	sdelay $0x3  }
0x152: {  	[tilespmem:s31+$0x10] =	vst v17  }
0x153: {  	v17 =	vld.idx.msk [tilespmem:v59+s13+$0x0], $0xffff  }
0x154: {  	v60 =	vor.u32 v11, v16;
	_ =	sdelay $0x3  }
0x155: {  	[tilespmem:s31+$0x20] =	vst v17  }
0x156: {  	v17 =	vld.idx.msk [tilespmem:v60+s13+$0x0], $0xffff  }
0x157: {  	v61 =	vor.u32 v12, v16;
	_ =	sdelay $0x3  }
0x158: {  	[tilespmem:s31+$0x30] =	vst v17  }
0x159: {  	v17 =	vld.idx.msk [tilespmem:v61+s13+$0x0], $0xffff  }
0x15a: {  	v62 =	vor.u32 v13, v16;
	_ =	sdelay $0x3  }
0x15b: {  	[tilespmem:s31+$0x40] =	vst v17  }
0x15c: {  	v17 =	vld.idx.msk [tilespmem:v62+s13+$0x0], $0xffff  }
0x15d: {  	v63 =	vor.u32 v14, v16;
	_ =	sdelay $0x3  }
0x15e: {  	[tilespmem:s31+$0x50] =	vst v17  }
0x15f: {  	v17 =	vld.idx.msk [tilespmem:v63+s13+$0x0], $0xffff  }
0x160: {  	v16 =	vor.u32 v15, v16;
	_ =	sdelay $0x3  }
0x161: {  	[tilespmem:s31+$0x60] =	vst v17  }
0x162: {  	s21 =	sadd.s32 $0x1, s21;
	v16 =	vld.idx.msk [tilespmem:v16+s13+$0x0], $0xffff  }
0x163: {  	p0 =	sne.s32 s21, $0x32  }
.Ltmp5:
0x164: {  	_ = 	snop;
	(pc) =	sbr.rel @p0 .LBB2_2-.Ltmp5, $4  }
0x165: {  	_ = 	snop  }
0x166: {  	s22 =	sadd.s32 s22, s5  }
0x167: {  	s22 =	sadd.s32 $0x20, s22;
	[tilespmem:s31+$0x70] =	vst v16  }
0x168: {  	[hbm4b:s22+s11] =	stream.strided.scatter [tilespmem:s18], [sflag:$0x4], $0x4000, s9, s11, $0x38;
	[tilespmem:$0x16400] =	vst v63  }
0x169: {  	s20 =	sadd.s32 $0x1, s20  }
0x16a: {  	_ =	swait.ge [sflag:s19], $0x4000;
	p0 =	sne.s32 s20, s7  }
.Ltmp6:
0x16b: {  	[sflag:s19] =	ssyncset.done $0x0;
	(pc) =	sbr.rel @p0 .LBB2_1-.Ltmp6, $4  }
0x16c: {  	[sflag:s19] =	ssyncadd.s32 $0xFFFFC000  }
0x16d: {  	_ =	swait.ge [sflag:s17], $0x4000  }
0x16e: {  	[sflag:s17] =	ssyncset.done $0x0  }
0x16f: {  	[sflag:s17] =	ssyncadd.s32 $0xFFFFC000  }
0x170: {  	_ =	sfence.sel $0x180000  }
0x171: {  	[bflag:$0x0] =	sbarrier.arrive $0xFFFF  }
0x172: {  	p0 =	sne.s32 s1, $0x0;
	_ =	strace $0x90000047  }
0x173: {  	s0 =	sadd.s32 @!p0 $0x100000, s0;
	[bflag:$0x2] =	sbarrier.arrive $0xFFFF  }
0x174: {  	[sflag:s0] =	ssyncadd.tile.s32 @!p0 $0x1;
	_ =	shalt  }
.Lfunc_end2:
_tile_overlayer_lowered:
.L_overlay_start_2:
0x175: {  	(tag) =	ssettag $0x2  }
0x176: {  	s0 =	rddreg [dreg:$0x0];
	s2 =	stileid.u32  }
0x177: {  	s1 =	rddreg [dreg:$0x1];
	p0 =	sne.s32 s2, $0x0  }
0x178: {  	s3 =	rddreg [dreg:$0x2];
	[bflag:$0x3] =	sbarrier.arrive $0xFFFF;
	s2 =	simm.s32 @!p0 $0x1C05  }
0x179: {  	[timem:s3], [sflag:s2] =	dma.local @!p0 [hbm:s0], s1  }
0x17a: {  	s0 =	simm.s32 @!p0 $0x5  }
0x17b: {  	_ =	swait.ge @!p0 [sflag:s0], s1  }
0x17c: {  	s1 =	ssub.s32 @!p0 $0x0, s1;
	[sflag:s0] =	ssyncset.done @!p0 $0x0  }
0x17d: {  	[sflag:s0] =	ssyncadd.s32 @!p0 s1  }
0x17e: {  	[bflag:$0x3] =	sbarrier.arrive $0xFFFF  }
0x17f: {  	_ =	shalt  }

</sc_bundles>
